<compile_context>
chip_gen: v7x
topology: tpu7x:2x2x1
jax: 0.10.2.dev20260603
libtpu: 0.0.44.dev20260713+nightly
codegen_flags: <defaults>
</compile_context>

<pallas_src>
import jax
import jax.numpy as jnp
from jax import lax
from jax.experimental import pallas as pl
from jax.experimental.pallas import tpu as pltpu
from jax.experimental.pallas import tpu_sc as plsc

_STATE_DIM = 16
_NUM_AGENTS = 1024
_NUM_STATES = 1 << _STATE_DIM
_L = 16
_NW = 16
_ROWS_PER_W = _NUM_AGENTS // _NW
_ROW_W = 128


def _vgather(x, idx):
    return x.at[idx].get(mode="promise_in_bounds")


def _body(state_hbm, tab_hbm, out_hbm, state_v, rows_v, outb_v, sem):
    wid = lax.axis_index("s")
    agent0 = pl.multiple_of(wid * _ROWS_PER_W, _ROWS_PER_W)

    pltpu.sync_copy(state_hbm, state_v)
    lanes = lax.iota(jnp.int32, _L)
    weights = jnp.left_shift(1, (_STATE_DIM - 1) - lanes)
    w = jnp.where(state_v[...] > 0.5, weights, 0)
    for sh in (8, 4, 2, 1):
        w = w + _vgather(w, jnp.bitwise_xor(lanes, sh))
    idx = w[0]
    col0 = pl.multiple_of(jnp.bitwise_and(idx, ~(_ROW_W - 1)), _ROW_W)
    chunk0 = pl.multiple_of(
        jnp.bitwise_and(idx, _ROW_W - _L), _L)
    off_vec = jnp.bitwise_and(w, _L - 1)

    pltpu.sync_copy(
        tab_hbm.at[pl.ds(agent0, _ROWS_PER_W), pl.ds(col0, _ROW_W)], rows_v)

    half = jnp.right_shift(lanes, 1)
    even = jnp.bitwise_and(lanes, 1) == 0
    zero = jnp.where(lanes < 0, 1.0, 0.0)
    for c in range(_ROWS_PER_W // _L):
        p = zero
        for j in range(_L):
            chunk = rows_v[c * _L + j, pl.ds(chunk0, _L)]
            pick = _vgather(chunk, off_vec)
            p = jnp.where(lanes == j, pick, p)
        q = 1.0 - p
        lo = jnp.where(even, _vgather(p, half), _vgather(q, half))
        hi = jnp.where(even, _vgather(p, 8 + half), _vgather(q, 8 + half))
        outb_v[pl.ds(c * 2 * _L, _L)] = lo
        outb_v[pl.ds(c * 2 * _L + _L, _L)] = hi

    pltpu.sync_copy(outb_v, out_hbm.at[pl.ds(agent0 * 2, _ROWS_PER_W * 2)])


def kernel(state, state_set, action_policies):
    del state_set
    call = pl.kernel(
        _body,
        mesh=plsc.VectorSubcoreMesh(
            core_axis_name="c", subcore_axis_name="s", num_cores=1),
        out_type=jax.ShapeDtypeStruct((_NUM_AGENTS * 2,), jnp.float32),
        scratch_types=[
            pltpu.VMEM((_STATE_DIM,), jnp.float32),
            pltpu.VMEM((_ROWS_PER_W, _ROW_W), jnp.float32),
            pltpu.VMEM((_ROWS_PER_W * 2,), jnp.float32),
            pltpu.SemaphoreType.DMA,
        ],
    )
    return call(state, action_policies).reshape(_NUM_AGENTS, 2)

# --- scband reference (transcript-rebuilt; emitter-appended) ---
"""Pipeline reference for scband-ground-model-joint-policy-71597104824895 (READ-ONLY COPY).

The authoritative reference and input builder live on the scoring server;
editing this copy changes nothing except your own understanding.
"""

import jax, jax.numpy as jnp
import numpy as np

STATE_SPACE_DIM = 16
NUM_ABS_AGENTS = 16
AGENTS_PER = 64
NUM_AGENTS = NUM_ABS_AGENTS * AGENTS_PER
NUM_STATES = 2 ** STATE_SPACE_DIM
CORR = 0.5


def _build_state_set():
    # All vertices of the unit hypercube, matching itertools.product([0,1], repeat=d)
    # (first coordinate varies slowest -> most significant bit)
    idx = jnp.arange(NUM_STATES, dtype=jnp.int32)
    shifts = jnp.arange(STATE_SPACE_DIM - 1, -1, -1, dtype=jnp.int32)
    bits = (idx[:, None] >> shifts[None, :]) & 1
    return bits.astype(jnp.float32)


def _build_action_policies(key):
    # 'sum' gen_type: correlated-Gaussian thresholding per abstract-agent block
    rho = np.sin(np.pi / 2.0 * CORR)
    k1, k2 = jax.random.split(key)
    shared = jax.random.normal(k1, (NUM_ABS_AGENTS, 1, NUM_STATES), dtype=jnp.float32)
    indiv = jax.random.normal(k2, (NUM_ABS_AGENTS, AGENTS_PER, NUM_STATES), dtype=jnp.float32)
    z = np.sqrt(1.0 - rho) * indiv + np.sqrt(rho) * shared
    return (z > 0).reshape(NUM_AGENTS, NUM_STATES).astype(jnp.float32)


def setup_inputs(seed: int = 0) -> dict:
    key = jax.random.key(seed)
    k_state, k_pol = jax.random.split(key)
    state = jax.random.uniform(k_state, (STATE_SPACE_DIM,), dtype=jnp.float32)
    state_set = _build_state_set()
    action_policies = _build_action_policies(k_pol)
    return {"state": state, "state_set": state_set, "action_policies": action_policies}


def reference(state, state_set, action_policies):
    # 1-NN retrieval over the hypercube vertex set
    dists = jnp.linalg.norm(state_set - state[None, :], axis=1)
    state_idx = jnp.argmin(dists)
    # gather the policy column for that state
    col = action_policies[:, state_idx]
    # hstack((policies, ~policies)) on 0/1-valued policies -> [p, 1-p]
    action_probability_vectors = jnp.stack([col, 1.0 - col], axis=1)
    return action_probability_vectors

if __name__ == "__main__":
    import jax
    _d = setup_inputs()
    print(jax.jit(kernel)(*tuple(_d.values())))

</pallas_src>

<mosaic_0001>
#map = affine_map<(d0, d1) -> (0)>
#map1 = affine_map<(d0, d1) -> (0, 0)>
module attributes {stable_mosaic.version = 14 : i64} {
  func.func @_body(%arg0: i32, %arg1: i32, %arg2: memref<16xf32, #tpu.memory_space<hbm>>, %arg3: memref<1024x65536xf32, #tpu.memory_space<hbm>>, %arg4: memref<2048xf32, #tpu.memory_space<hbm>>, %arg5: memref<16xf32, #tpu.memory_space<vmem>>, %arg6: memref<64x128xf32, #tpu.memory_space<vmem>>, %arg7: memref<128xf32, #tpu.memory_space<vmem>>, %arg8: memref<!tpu.dma_semaphore, #tpu.memory_space<semaphore_mem>>) attributes {dimension_semantics = [#tpu.dimension_semantics<core_parallel>, #tpu.dimension_semantics<subcore_parallel>], iteration_bounds = array<i64: 1, 16>, scalar_prefetch = 0 : i64, scratch_operands = 4 : i64, tpu.core_type = #tpu.core_type<sc_vector_subcore>, window_params = [{transform_indices = #map}, {transform_indices = #map1}, {transform_indices = #map}]} {
    %mul3A = arith.constant 64 : i32
    %mul3A_0 = arith.muli %arg1, %mul3A : i32
    %multiple_of3A = tpu.assume_multiple %mul3A_0, 64 : i32
    "tpu.region"() ({
      %run_scoped3A = tpu.sem_alloc : memref<!tpu.dma_semaphore, #tpu.memory_space<semaphore_mem>>
      tpu.enqueue_dma source(%arg2 : memref<16xf32, #tpu.memory_space<hbm>>) target(%arg5 : memref<16xf32, #tpu.memory_space<vmem>>) target_semaphore(%run_scoped3A : memref<!tpu.dma_semaphore, #tpu.memory_space<semaphore_mem>>)
      tpu.wait_dma2 semaphore(%run_scoped3A : memref<!tpu.dma_semaphore, #tpu.memory_space<semaphore_mem>>) src(%arg2 : memref<16xf32, #tpu.memory_space<hbm>>) dst(%arg5 : memref<16xf32, #tpu.memory_space<vmem>>)
      tpu.yield
    }) : () -> ()
    %iota3A = tpu.iota {dimensions = array<i32: 0>} : vector<16xi32>
    %sub3A = arith.constant 15 : i32
    %sub3A_1 = vector.broadcast %sub3A : i32 to vector<16xi32>
    %sub3A_2 = arith.subi %sub3A_1, %iota3A : vector<16xi32>
    %shift_left3A = arith.constant 1 : i32
    %shift_left3A_3 = vector.broadcast %shift_left3A : i32 to vector<16xi32>
    %shift_left3A_4 = arith.shli %shift_left3A_3, %sub3A_2 : vector<16xi32>
    %get3A = arith.constant 0 : index
    %get3A_5 = tpu.vector_load %arg5[%get3A] {strides = array<i32>} : memref<16xf32, #tpu.memory_space<vmem>>, vector<16xf32>,
    %get3A_6 = vector.shape_cast %get3A_5 : vector<16xf32> to vector<16xf32>
    %gt3A = arith.constant 5.000000e-01 : f32
    %gt3A_7 = vector.broadcast %gt3A : f32 to vector<16xf32>
    %gt3A_8 = arith.cmpf ogt, %get3A_6, %gt3A_7 : vector<16xf32>
    %jit3A = arith.constant 0 : i32
    %broadcast_in_dim3A = vector.broadcast %jit3A : i32 to vector<16xi32>
    %select_n3A = arith.select %gt3A_8, %shift_left3A_4, %broadcast_in_dim3A : vector<16xi1>, vector<16xi32>
    %xor3A = arith.constant 8 : i32
    %xor3A_9 = vector.broadcast %xor3A : i32 to vector<16xi32>
    %xor3A_10 = arith.xori %iota3A, %xor3A_9 : vector<16xi32>
    %lt3A = arith.constant 0 : i32
    %lt3A_11 = vector.broadcast %lt3A : i32 to vector<16xi32>
    %lt3A_12 = arith.cmpi slt, %xor3A_10, %lt3A_11 : vector<16xi32>
    %add3A = arith.constant 16 : i32
    %add3A_13 = vector.broadcast %add3A : i32 to vector<16xi32>
    %add3A_14 = arith.addi %xor3A_10, %add3A_13 : vector<16xi32>
    %select_n3A_15 = arith.select %lt3A_12, %add3A_14, %xor3A_10 : vector<16xi1>, vector<16xi32>
    %broadcast_in_dim3A_16 = vector.shape_cast %select_n3A_15 : vector<16xi32> to vector<16x1xi32>
    %gather3A = vector.shape_cast %broadcast_in_dim3A_16 : vector<16x1xi32> to vector<16xi32>
    %gather3A_17 = tpu.dynamic_gather %select_n3A[%gather3A] in [0] : vector<16xi32>, vector<16xi32> -> vector<16xi32>
    %add3A_18 = arith.addi %select_n3A, %gather3A_17 : vector<16xi32>
    %xor3A_19 = arith.constant 4 : i32
    %xor3A_20 = vector.broadcast %xor3A_19 : i32 to vector<16xi32>
    %xor3A_21 = arith.xori %iota3A, %xor3A_20 : vector<16xi32>
    %lt3A_22 = arith.constant 0 : i32
    %lt3A_23 = vector.broadcast %lt3A_22 : i32 to vector<16xi32>
    %lt3A_24 = arith.cmpi slt, %xor3A_21, %lt3A_23 : vector<16xi32>
    %add3A_25 = arith.constant 16 : i32
    %add3A_26 = vector.broadcast %add3A_25 : i32 to vector<16xi32>
    %add3A_27 = arith.addi %xor3A_21, %add3A_26 : vector<16xi32>
    %select_n3A_28 = arith.select %lt3A_24, %add3A_27, %xor3A_21 : vector<16xi1>, vector<16xi32>
    %broadcast_in_dim3A_29 = vector.shape_cast %select_n3A_28 : vector<16xi32> to vector<16x1xi32>
    %gather3A_30 = vector.shape_cast %broadcast_in_dim3A_29 : vector<16x1xi32> to vector<16xi32>
    %gather3A_31 = tpu.dynamic_gather %add3A_18[%gather3A_30] in [0] : vector<16xi32>, vector<16xi32> -> vector<16xi32>
    %add3A_32 = arith.addi %add3A_18, %gather3A_31 : vector<16xi32>
    %xor3A_33 = arith.constant 2 : i32
    %xor3A_34 = vector.broadcast %xor3A_33 : i32 to vector<16xi32>
    %xor3A_35 = arith.xori %iota3A, %xor3A_34 : vector<16xi32>
    %lt3A_36 = arith.constant 0 : i32
    %lt3A_37 = vector.broadcast %lt3A_36 : i32 to vector<16xi32>
    %lt3A_38 = arith.cmpi slt, %xor3A_35, %lt3A_37 : vector<16xi32>
    %add3A_39 = arith.constant 16 : i32
    %add3A_40 = vector.broadcast %add3A_39 : i32 to vector<16xi32>
    %add3A_41 = arith.addi %xor3A_35, %add3A_40 : vector<16xi32>
    %select_n3A_42 = arith.select %lt3A_38, %add3A_41, %xor3A_35 : vector<16xi1>, vector<16xi32>
    %broadcast_in_dim3A_43 = vector.shape_cast %select_n3A_42 : vector<16xi32> to vector<16x1xi32>
    %gather3A_44 = vector.shape_cast %broadcast_in_dim3A_43 : vector<16x1xi32> to vector<16xi32>
    %gather3A_45 = tpu.dynamic_gather %add3A_32[%gather3A_44] in [0] : vector<16xi32>, vector<16xi32> -> vector<16xi32>
    %add3A_46 = arith.addi %add3A_32, %gather3A_45 : vector<16xi32>
    %xor3A_47 = arith.constant 1 : i32
    %xor3A_48 = vector.broadcast %xor3A_47 : i32 to vector<16xi32>
    %xor3A_49 = arith.xori %iota3A, %xor3A_48 : vector<16xi32>
    %lt3A_50 = arith.constant 0 : i32
    %lt3A_51 = vector.broadcast %lt3A_50 : i32 to vector<16xi32>
    %lt3A_52 = arith.cmpi slt, %xor3A_49, %lt3A_51 : vector<16xi32>
    %add3A_53 = arith.constant 16 : i32
    %add3A_54 = vector.broadcast %add3A_53 : i32 to vector<16xi32>
    %add3A_55 = arith.addi %xor3A_49, %add3A_54 : vector<16xi32>
    %select_n3A_56 = arith.select %lt3A_52, %add3A_55, %xor3A_49 : vector<16xi1>, vector<16xi32>
    %broadcast_in_dim3A_57 = vector.shape_cast %select_n3A_56 : vector<16xi32> to vector<16x1xi32>
    %gather3A_58 = vector.shape_cast %broadcast_in_dim3A_57 : vector<16x1xi32> to vector<16xi32>
    %gather3A_59 = tpu.dynamic_gather %add3A_46[%gather3A_58] in [0] : vector<16xi32>, vector<16xi32> -> vector<16xi32>
    %add3A_60 = arith.addi %add3A_46, %gather3A_59 : vector<16xi32>
    %slice3A = vector.extract_strided_slice %add3A_60 {offsets = [0], sizes = [1], strides = [1]} : vector<16xi32> to vector<1xi32>
    %squeeze3A = vector.extract %slice3A[0] : i32 from vector<1xi32>
    %and3A = arith.constant -128 : i32
    %and3A_61 = arith.andi %squeeze3A, %and3A : i32
    %multiple_of3A_62 = tpu.assume_multiple %and3A_61, 128 : i32
    %and3A_63 = arith.constant 112 : i32
    %and3A_64 = arith.andi %squeeze3A, %and3A_63 : i32
    %multiple_of3A_65 = tpu.assume_multiple %and3A_64, 16 : i32
    %and3A_66 = arith.constant 15 : i32
    %and3A_67 = vector.broadcast %and3A_66 : i32 to vector<16xi32>
    %and3A_68 = arith.andi %add3A_60, %and3A_67 : vector<16xi32>
    "tpu.region"() ({
      %run_scoped3A = tpu.sem_alloc : memref<!tpu.dma_semaphore, #tpu.memory_space<semaphore_mem>>
      %dma_start3A = tpu.memref_slice %arg3[%multiple_of3A, %multiple_of3A_62] : memref<1024x65536xf32, #tpu.memory_space<hbm>> -> memref<64x128xf32, #tpu.memory_space<hbm>>
      %dma_start3A_1537 = tpu.memref_slice %arg3[%multiple_of3A, %multiple_of3A_62] : memref<1024x65536xf32, #tpu.memory_space<hbm>> -> memref<64x128xf32, #tpu.memory_space<hbm>>
      tpu.enqueue_dma source(%dma_start3A_1537 : memref<64x128xf32, #tpu.memory_space<hbm>>) target(%arg6 : memref<64x128xf32, #tpu.memory_space<vmem>>) target_semaphore(%run_scoped3A : memref<!tpu.dma_semaphore, #tpu.memory_space<semaphore_mem>>)
      %dma_wait3A = tpu.memref_slice %arg3[%multiple_of3A, %multiple_of3A_62] : memref<1024x65536xf32, #tpu.memory_space<hbm>> -> memref<64x128xf32, #tpu.memory_space<hbm>>
      %dma_wait3A_1538 = tpu.memref_slice %arg3[%multiple_of3A, %multiple_of3A_62] : memref<1024x65536xf32, #tpu.memory_space<hbm>> -> memref<64x128xf32, #tpu.memory_space<hbm>>
      tpu.wait_dma2 semaphore(%run_scoped3A : memref<!tpu.dma_semaphore, #tpu.memory_space<semaphore_mem>>) src(%dma_wait3A_1538 : memref<64x128xf32, #tpu.memory_space<hbm>>) dst(%arg6 : memref<64x128xf32, #tpu.memory_space<vmem>>)
      tpu.yield
    }) : () -> ()
    %shift_right_arithmetic3A = arith.constant 1 : i32
    %shift_right_arithmetic3A_69 = vector.broadcast %shift_right_arithmetic3A : i32 to vector<16xi32>
    %shift_right_arithmetic3A_70 = arith.shrsi %iota3A, %shift_right_arithmetic3A_69 : vector<16xi32>
    %and3A_71 = arith.constant 1 : i32
    %and3A_72 = vector.broadcast %and3A_71 : i32 to vector<16xi32>
    %and3A_73 = arith.andi %iota3A, %and3A_72 : vector<16xi32>
    %eq3A = arith.constant 0 : i32
    %eq3A_74 = vector.broadcast %eq3A : i32 to vector<16xi32>
    %eq3A_75 = arith.cmpi eq, %and3A_73, %eq3A_74 : vector<16xi32>
    %lt3A_76 = arith.constant 0 : i32
    %lt3A_77 = vector.broadcast %lt3A_76 : i32 to vector<16xi32>
    %lt3A_78 = arith.cmpi slt, %iota3A, %lt3A_77 : vector<16xi32>
    %jit3A_79 = arith.constant 1.000000e+00 : f32
    %jit3A_80 = arith.constant 0.000000e+00 : f32
    %broadcast_in_dim3A_81 = vector.broadcast %jit3A_79 : f32 to vector<16xf32>
    %broadcast_in_dim3A_82 = vector.broadcast %jit3A_80 : f32 to vector<16xf32>
    %select_n3A_83 = arith.select %lt3A_78, %broadcast_in_dim3A_81, %broadcast_in_dim3A_82 : vector<16xi1>, vector<16xf32>
    %get3A_84 = arith.constant 0 : i32
    %get3A_85 = arith.index_cast %get3A_84 : i32 to index
    %get3A_86 = arith.index_cast %multiple_of3A_65 : i32 to index
    %get3A_87 = tpu.vector_load %arg6[%get3A_85, %get3A_86] {strides = array<i32>} : memref<64x128xf32, #tpu.memory_space<vmem>>, vector<1x16xf32>,
    %get3A_88 = vector.shape_cast %get3A_87 : vector<1x16xf32> to vector<16xf32>
    %lt3A_89 = arith.constant 0 : i32
    %lt3A_90 = vector.broadcast %lt3A_89 : i32 to vector<16xi32>
    %lt3A_91 = arith.cmpi slt, %and3A_68, %lt3A_90 : vector<16xi32>
    %add3A_92 = arith.constant 16 : i32
    %add3A_93 = vector.broadcast %add3A_92 : i32 to vector<16xi32>
    %add3A_94 = arith.addi %and3A_68, %add3A_93 : vector<16xi32>
    %select_n3A_95 = arith.select %lt3A_91, %add3A_94, %and3A_68 : vector<16xi1>, vector<16xi32>
    %broadcast_in_dim3A_96 = vector.shape_cast %select_n3A_95 : vector<16xi32> to vector<16x1xi32>
    %gather3A_97 = vector.shape_cast %broadcast_in_dim3A_96 : vector<16x1xi32> to vector<16xi32>
    %gather3A_98 = tpu.dynamic_gather %get3A_88[%gather3A_97] in [0] : vector<16xf32>, vector<16xi32> -> vector<16xf32>
    %eq3A_99 = arith.constant 0 : i32
    %eq3A_100 = vector.broadcast %eq3A_99 : i32 to vector<16xi32>
    %eq3A_101 = arith.cmpi eq, %iota3A, %eq3A_100 : vector<16xi32>
    %select_n3A_102 = arith.select %eq3A_101, %gather3A_98, %select_n3A_83 : vector<16xi1>, vector<16xf32>
    %get3A_103 = arith.constant 1 : i32
    %get3A_104 = arith.index_cast %get3A_103 : i32 to index
    %get3A_105 = arith.index_cast %multiple_of3A_65 : i32 to index
    %get3A_106 = tpu.vector_load %arg6[%get3A_104, %get3A_105] {strides = array<i32>} : memref<64x128xf32, #tpu.memory_space<vmem>>, vector<1x16xf32>,
    %get3A_107 = vector.shape_cast %get3A_106 : vector<1x16xf32> to vector<16xf32>
    %lt3A_108 = arith.constant 0 : i32
    %lt3A_109 = vector.broadcast %lt3A_108 : i32 to vector<16xi32>
    %lt3A_110 = arith.cmpi slt, %and3A_68, %lt3A_109 : vector<16xi32>
    %add3A_111 = arith.constant 16 : i32
    %add3A_112 = vector.broadcast %add3A_111 : i32 to vector<16xi32>
    %add3A_113 = arith.addi %and3A_68, %add3A_112 : vector<16xi32>
    %select_n3A_114 = arith.select %lt3A_110, %add3A_113, %and3A_68 : vector<16xi1>, vector<16xi32>
    %broadcast_in_dim3A_115 = vector.shape_cast %select_n3A_114 : vector<16xi32> to vector<16x1xi32>
    %gather3A_116 = vector.shape_cast %broadcast_in_dim3A_115 : vector<16x1xi32> to vector<16xi32>
    %gather3A_117 = tpu.dynamic_gather %get3A_107[%gather3A_116] in [0] : vector<16xf32>, vector<16xi32> -> vector<16xf32>
    %eq3A_118 = arith.constant 1 : i32
    %eq3A_119 = vector.broadcast %eq3A_118 : i32 to vector<16xi32>
    %eq3A_120 = arith.cmpi eq, %iota3A, %eq3A_119 : vector<16xi32>
    %select_n3A_121 = arith.select %eq3A_120, %gather3A_117, %select_n3A_102 : vector<16xi1>, vector<16xf32>
    %get3A_122 = arith.constant 2 : i32
    %get3A_123 = arith.index_cast %get3A_122 : i32 to index
    %get3A_124 = arith.index_cast %multiple_of3A_65 : i32 to index
    %get3A_125 = tpu.vector_load %arg6[%get3A_123, %get3A_124] {strides = array<i32>} : memref<64x128xf32, #tpu.memory_space<vmem>>, vector<1x16xf32>,
    %get3A_126 = vector.shape_cast %get3A_125 : vector<1x16xf32> to vector<16xf32>
    %lt3A_127 = arith.constant 0 : i32
    %lt3A_128 = vector.broadcast %lt3A_127 : i32 to vector<16xi32>
    %lt3A_129 = arith.cmpi slt, %and3A_68, %lt3A_128 : vector<16xi32>
    %add3A_130 = arith.constant 16 : i32
    %add3A_131 = vector.broadcast %add3A_130 : i32 to vector<16xi32>
    %add3A_132 = arith.addi %and3A_68, %add3A_131 : vector<16xi32>
    %select_n3A_133 = arith.select %lt3A_129, %add3A_132, %and3A_68 : vector<16xi1>, vector<16xi32>
    %broadcast_in_dim3A_134 = vector.shape_cast %select_n3A_133 : vector<16xi32> to vector<16x1xi32>
    %gather3A_135 = vector.shape_cast %broadcast_in_dim3A_134 : vector<16x1xi32> to vector<16xi32>
    %gather3A_136 = tpu.dynamic_gather %get3A_126[%gather3A_135] in [0] : vector<16xf32>, vector<16xi32> -> vector<16xf32>
    %eq3A_137 = arith.constant 2 : i32
    %eq3A_138 = vector.broadcast %eq3A_137 : i32 to vector<16xi32>
    %eq3A_139 = arith.cmpi eq, %iota3A, %eq3A_138 : vector<16xi32>
    %select_n3A_140 = arith.select %eq3A_139, %gather3A_136, %select_n3A_121 : vector<16xi1>, vector<16xf32>
    %get3A_141 = arith.constant 3 : i32
    %get3A_142 = arith.index_cast %get3A_141 : i32 to index
    %get3A_143 = arith.index_cast %multiple_of3A_65 : i32 to index
    %get3A_144 = tpu.vector_load %arg6[%get3A_142, %get3A_143] {strides = array<i32>} : memref<64x128xf32, #tpu.memory_space<vmem>>, vector<1x16xf32>,
    %get3A_145 = vector.shape_cast %get3A_144 : vector<1x16xf32> to vector<16xf32>
    %lt3A_146 = arith.constant 0 : i32
    %lt3A_147 = vector.broadcast %lt3A_146 : i32 to vector<16xi32>
    %lt3A_148 = arith.cmpi slt, %and3A_68, %lt3A_147 : vector<16xi32>
    %add3A_149 = arith.constant 16 : i32
    %add3A_150 = vector.broadcast %add3A_149 : i32 to vector<16xi32>
    %add3A_151 = arith.addi %and3A_68, %add3A_150 : vector<16xi32>
    %select_n3A_152 = arith.select %lt3A_148, %add3A_151, %and3A_68 : vector<16xi1>, vector<16xi32>
    %broadcast_in_dim3A_153 = vector.shape_cast %select_n3A_152 : vector<16xi32> to vector<16x1xi32>
    %gather3A_154 = vector.shape_cast %broadcast_in_dim3A_153 : vector<16x1xi32> to vector<16xi32>
    %gather3A_155 = tpu.dynamic_gather %get3A_145[%gather3A_154] in [0] : vector<16xf32>, vector<16xi32> -> vector<16xf32>
    %eq3A_156 = arith.constant 3 : i32
    %eq3A_157 = vector.broadcast %eq3A_156 : i32 to vector<16xi32>
    %eq3A_158 = arith.cmpi eq, %iota3A, %eq3A_157 : vector<16xi32>
    %select_n3A_159 = arith.select %eq3A_158, %gather3A_155, %select_n3A_140 : vector<16xi1>, vector<16xf32>
    %get3A_160 = arith.constant 4 : i32
    %get3A_161 = arith.index_cast %get3A_160 : i32 to index
    %get3A_162 = arith.index_cast %multiple_of3A_65 : i32 to index
    %get3A_163 = tpu.vector_load %arg6[%get3A_161, %get3A_162] {strides = array<i32>} : memref<64x128xf32, #tpu.memory_space<vmem>>, vector<1x16xf32>,
    %get3A_164 = vector.shape_cast %get3A_163 : vector<1x16xf32> to vector<16xf32>
    %lt3A_165 = arith.constant 0 : i32
    %lt3A_166 = vector.broadcast %lt3A_165 : i32 to vector<16xi32>
    %lt3A_167 = arith.cmpi slt, %and3A_68, %lt3A_166 : vector<16xi32>
    %add3A_168 = arith.constant 16 : i32
    %add3A_169 = vector.broadcast %add3A_168 : i32 to vector<16xi32>
    %add3A_170 = arith.addi %and3A_68, %add3A_169 : vector<16xi32>
    %select_n3A_171 = arith.select %lt3A_167, %add3A_170, %and3A_68 : vector<16xi1>, vector<16xi32>
    %broadcast_in_dim3A_172 = vector.shape_cast %select_n3A_171 : vector<16xi32> to vector<16x1xi32>
    %gather3A_173 = vector.shape_cast %broadcast_in_dim3A_172 : vector<16x1xi32> to vector<16xi32>
    %gather3A_174 = tpu.dynamic_gather %get3A_164[%gather3A_173] in [0] : vector<16xf32>, vector<16xi32> -> vector<16xf32>
    %eq3A_175 = arith.constant 4 : i32
    %eq3A_176 = vector.broadcast %eq3A_175 : i32 to vector<16xi32>
    %eq3A_177 = arith.cmpi eq, %iota3A, %eq3A_176 : vector<16xi32>
    %select_n3A_178 = arith.select %eq3A_177, %gather3A_174, %select_n3A_159 : vector<16xi1>, vector<16xf32>
    %get3A_179 = arith.constant 5 : i32
    %get3A_180 = arith.index_cast %get3A_179 : i32 to index
    %get3A_181 = arith.index_cast %multiple_of3A_65 : i32 to index
    %get3A_182 = tpu.vector_load %arg6[%get3A_180, %get3A_181] {strides = array<i32>} : memref<64x128xf32, #tpu.memory_space<vmem>>, vector<1x16xf32>,
    %get3A_183 = vector.shape_cast %get3A_182 : vector<1x16xf32> to vector<16xf32>
    %lt3A_184 = arith.constant 0 : i32
    %lt3A_185 = vector.broadcast %lt3A_184 : i32 to vector<16xi32>
    %lt3A_186 = arith.cmpi slt, %and3A_68, %lt3A_185 : vector<16xi32>
    %add3A_187 = arith.constant 16 : i32
    %add3A_188 = vector.broadcast %add3A_187 : i32 to vector<16xi32>
    %add3A_189 = arith.addi %and3A_68, %add3A_188 : vector<16xi32>
    %select_n3A_190 = arith.select %lt3A_186, %add3A_189, %and3A_68 : vector<16xi1>, vector<16xi32>
    %broadcast_in_dim3A_191 = vector.shape_cast %select_n3A_190 : vector<16xi32> to vector<16x1xi32>
    %gather3A_192 = vector.shape_cast %broadcast_in_dim3A_191 : vector<16x1xi32> to vector<16xi32>
    %gather3A_193 = tpu.dynamic_gather %get3A_183[%gather3A_192] in [0] : vector<16xf32>, vector<16xi32> -> vector<16xf32>
    %eq3A_194 = arith.constant 5 : i32
    %eq3A_195 = vector.broadcast %eq3A_194 : i32 to vector<16xi32>
    %eq3A_196 = arith.cmpi eq, %iota3A, %eq3A_195 : vector<16xi32>
    %select_n3A_197 = arith.select %eq3A_196, %gather3A_193, %select_n3A_178 : vector<16xi1>, vector<16xf32>
    %get3A_198 = arith.constant 6 : i32
    %get3A_199 = arith.index_cast %get3A_198 : i32 to index
    %get3A_200 = arith.index_cast %multiple_of3A_65 : i32 to index
    %get3A_201 = tpu.vector_load %arg6[%get3A_199, %get3A_200] {strides = array<i32>} : memref<64x128xf32, #tpu.memory_space<vmem>>, vector<1x16xf32>,
    %get3A_202 = vector.shape_cast %get3A_201 : vector<1x16xf32> to vector<16xf32>
    %lt3A_203 = arith.constant 0 : i32
    %lt3A_204 = vector.broadcast %lt3A_203 : i32 to vector<16xi32>
    %lt3A_205 = arith.cmpi slt, %and3A_68, %lt3A_204 : vector<16xi32>
    %add3A_206 = arith.constant 16 : i32
    %add3A_207 = vector.broadcast %add3A_206 : i32 to vector<16xi32>
    %add3A_208 = arith.addi %and3A_68, %add3A_207 : vector<16xi32>
    %select_n3A_209 = arith.select %lt3A_205, %add3A_208, %and3A_68 : vector<16xi1>, vector<16xi32>
    %broadcast_in_dim3A_210 = vector.shape_cast %select_n3A_209 : vector<16xi32> to vector<16x1xi32>
    %gather3A_211 = vector.shape_cast %broadcast_in_dim3A_210 : vector<16x1xi32> to vector<16xi32>
    %gather3A_212 = tpu.dynamic_gather %get3A_202[%gather3A_211] in [0] : vector<16xf32>, vector<16xi32> -> vector<16xf32>
    %eq3A_213 = arith.constant 6 : i32
    %eq3A_214 = vector.broadcast %eq3A_213 : i32 to vector<16xi32>
    %eq3A_215 = arith.cmpi eq, %iota3A, %eq3A_214 : vector<16xi32>
    %select_n3A_216 = arith.select %eq3A_215, %gather3A_212, %select_n3A_197 : vector<16xi1>, vector<16xf32>
    %get3A_217 = arith.constant 7 : i32
    %get3A_218 = arith.index_cast %get3A_217 : i32 to index
    %get3A_219 = arith.index_cast %multiple_of3A_65 : i32 to index
    %get3A_220 = tpu.vector_load %arg6[%get3A_218, %get3A_219] {strides = array<i32>} : memref<64x128xf32, #tpu.memory_space<vmem>>, vector<1x16xf32>,
    %get3A_221 = vector.shape_cast %get3A_220 : vector<1x16xf32> to vector<16xf32>
    %lt3A_222 = arith.constant 0 : i32
    %lt3A_223 = vector.broadcast %lt3A_222 : i32 to vector<16xi32>
    %lt3A_224 = arith.cmpi slt, %and3A_68, %lt3A_223 : vector<16xi32>
    %add3A_225 = arith.constant 16 : i32
    %add3A_226 = vector.broadcast %add3A_225 : i32 to vector<16xi32>
    %add3A_227 = arith.addi %and3A_68, %add3A_226 : vector<16xi32>
    %select_n3A_228 = arith.select %lt3A_224, %add3A_227, %and3A_68 : vector<16xi1>, vector<16xi32>
    %broadcast_in_dim3A_229 = vector.shape_cast %select_n3A_228 : vector<16xi32> to vector<16x1xi32>
    %gather3A_230 = vector.shape_cast %broadcast_in_dim3A_229 : vector<16x1xi32> to vector<16xi32>
    %gather3A_231 = tpu.dynamic_gather %get3A_221[%gather3A_230] in [0] : vector<16xf32>, vector<16xi32> -> vector<16xf32>
    %eq3A_232 = arith.constant 7 : i32
    %eq3A_233 = vector.broadcast %eq3A_232 : i32 to vector<16xi32>
    %eq3A_234 = arith.cmpi eq, %iota3A, %eq3A_233 : vector<16xi32>
    %select_n3A_235 = arith.select %eq3A_234, %gather3A_231, %select_n3A_216 : vector<16xi1>, vector<16xf32>
    %get3A_236 = arith.constant 8 : i32
    %get3A_237 = arith.index_cast %get3A_236 : i32 to index
    %get3A_238 = arith.index_cast %multiple_of3A_65 : i32 to index
    %get3A_239 = tpu.vector_load %arg6[%get3A_237, %get3A_238] {strides = array<i32>} : memref<64x128xf32, #tpu.memory_space<vmem>>, vector<1x16xf32>,
    %get3A_240 = vector.shape_cast %get3A_239 : vector<1x16xf32> to vector<16xf32>
    %lt3A_241 = arith.constant 0 : i32
    %lt3A_242 = vector.broadcast %lt3A_241 : i32 to vector<16xi32>
    %lt3A_243 = arith.cmpi slt, %and3A_68, %lt3A_242 : vector<16xi32>
    %add3A_244 = arith.constant 16 : i32
    %add3A_245 = vector.broadcast %add3A_244 : i32 to vector<16xi32>
    %add3A_246 = arith.addi %and3A_68, %add3A_245 : vector<16xi32>
    %select_n3A_247 = arith.select %lt3A_243, %add3A_246, %and3A_68 : vector<16xi1>, vector<16xi32>
    %broadcast_in_dim3A_248 = vector.shape_cast %select_n3A_247 : vector<16xi32> to vector<16x1xi32>
    %gather3A_249 = vector.shape_cast %broadcast_in_dim3A_248 : vector<16x1xi32> to vector<16xi32>
    %gather3A_250 = tpu.dynamic_gather %get3A_240[%gather3A_249] in [0] : vector<16xf32>, vector<16xi32> -> vector<16xf32>
    %eq3A_251 = arith.constant 8 : i32
    %eq3A_252 = vector.broadcast %eq3A_251 : i32 to vector<16xi32>
    %eq3A_253 = arith.cmpi eq, %iota3A, %eq3A_252 : vector<16xi32>
    %select_n3A_254 = arith.select %eq3A_253, %gather3A_250, %select_n3A_235 : vector<16xi1>, vector<16xf32>
    %get3A_255 = arith.constant 9 : i32
    %get3A_256 = arith.index_cast %get3A_255 : i32 to index
    %get3A_257 = arith.index_cast %multiple_of3A_65 : i32 to index
    %get3A_258 = tpu.vector_load %arg6[%get3A_256, %get3A_257] {strides = array<i32>} : memref<64x128xf32, #tpu.memory_space<vmem>>, vector<1x16xf32>,
    %get3A_259 = vector.shape_cast %get3A_258 : vector<1x16xf32> to vector<16xf32>
    %lt3A_260 = arith.constant 0 : i32
    %lt3A_261 = vector.broadcast %lt3A_260 : i32 to vector<16xi32>
    %lt3A_262 = arith.cmpi slt, %and3A_68, %lt3A_261 : vector<16xi32>
    %add3A_263 = arith.constant 16 : i32
    %add3A_264 = vector.broadcast %add3A_263 : i32 to vector<16xi32>
    %add3A_265 = arith.addi %and3A_68, %add3A_264 : vector<16xi32>
    %select_n3A_266 = arith.select %lt3A_262, %add3A_265, %and3A_68 : vector<16xi1>, vector<16xi32>
    %broadcast_in_dim3A_267 = vector.shape_cast %select_n3A_266 : vector<16xi32> to vector<16x1xi32>
    %gather3A_268 = vector.shape_cast %broadcast_in_dim3A_267 : vector<16x1xi32> to vector<16xi32>
    %gather3A_269 = tpu.dynamic_gather %get3A_259[%gather3A_268] in [0] : vector<16xf32>, vector<16xi32> -> vector<16xf32>
    %eq3A_270 = arith.constant 9 : i32
    %eq3A_271 = vector.broadcast %eq3A_270 : i32 to vector<16xi32>
    %eq3A_272 = arith.cmpi eq, %iota3A, %eq3A_271 : vector<16xi32>
    %select_n3A_273 = arith.select %eq3A_272, %gather3A_269, %select_n3A_254 : vector<16xi1>, vector<16xf32>
    %get3A_274 = arith.constant 10 : i32
    %get3A_275 = arith.index_cast %get3A_274 : i32 to index
    %get3A_276 = arith.index_cast %multiple_of3A_65 : i32 to index
    %get3A_277 = tpu.vector_load %arg6[%get3A_275, %get3A_276] {strides = array<i32>} : memref<64x128xf32, #tpu.memory_space<vmem>>, vector<1x16xf32>,
    %get3A_278 = vector.shape_cast %get3A_277 : vector<1x16xf32> to vector<16xf32>
    %lt3A_279 = arith.constant 0 : i32
    %lt3A_280 = vector.broadcast %lt3A_279 : i32 to vector<16xi32>
    %lt3A_281 = arith.cmpi slt, %and3A_68, %lt3A_280 : vector<16xi32>
    %add3A_282 = arith.constant 16 : i32
    %add3A_283 = vector.broadcast %add3A_282 : i32 to vector<16xi32>
    %add3A_284 = arith.addi %and3A_68, %add3A_283 : vector<16xi32>
    %select_n3A_285 = arith.select %lt3A_281, %add3A_284, %and3A_68 : vector<16xi1>, vector<16xi32>
    %broadcast_in_dim3A_286 = vector.shape_cast %select_n3A_285 : vector<16xi32> to vector<16x1xi32>
    %gather3A_287 = vector.shape_cast %broadcast_in_dim3A_286 : vector<16x1xi32> to vector<16xi32>
    %gather3A_288 = tpu.dynamic_gather %get3A_278[%gather3A_287] in [0] : vector<16xf32>, vector<16xi32> -> vector<16xf32>
    %eq3A_289 = arith.constant 10 : i32
    %eq3A_290 = vector.broadcast %eq3A_289 : i32 to vector<16xi32>
    %eq3A_291 = arith.cmpi eq, %iota3A, %eq3A_290 : vector<16xi32>
    %select_n3A_292 = arith.select %eq3A_291, %gather3A_288, %select_n3A_273 : vector<16xi1>, vector<16xf32>
    %get3A_293 = arith.constant 11 : i32
    %get3A_294 = arith.index_cast %get3A_293 : i32 to index
    %get3A_295 = arith.index_cast %multiple_of3A_65 : i32 to index
    %get3A_296 = tpu.vector_load %arg6[%get3A_294, %get3A_295] {strides = array<i32>} : memref<64x128xf32, #tpu.memory_space<vmem>>, vector<1x16xf32>,
    %get3A_297 = vector.shape_cast %get3A_296 : vector<1x16xf32> to vector<16xf32>
    %lt3A_298 = arith.constant 0 : i32
    %lt3A_299 = vector.broadcast %lt3A_298 : i32 to vector<16xi32>
    %lt3A_300 = arith.cmpi slt, %and3A_68, %lt3A_299 : vector<16xi32>
    %add3A_301 = arith.constant 16 : i32
    %add3A_302 = vector.broadcast %add3A_301 : i32 to vector<16xi32>
    %add3A_303 = arith.addi %and3A_68, %add3A_302 : vector<16xi32>
    %select_n3A_304 = arith.select %lt3A_300, %add3A_303, %and3A_68 : vector<16xi1>, vector<16xi32>
    %broadcast_in_dim3A_305 = vector.shape_cast %select_n3A_304 : vector<16xi32> to vector<16x1xi32>
    %gather3A_306 = vector.shape_cast %broadcast_in_dim3A_305 : vector<16x1xi32> to vector<16xi32>
    %gather3A_307 = tpu.dynamic_gather %get3A_297[%gather3A_306] in [0] : vector<16xf32>, vector<16xi32> -> vector<16xf32>
    %eq3A_308 = arith.constant 11 : i32
    %eq3A_309 = vector.broadcast %eq3A_308 : i32 to vector<16xi32>
    %eq3A_310 = arith.cmpi eq, %iota3A, %eq3A_309 : vector<16xi32>
    %select_n3A_311 = arith.select %eq3A_310, %gather3A_307, %select_n3A_292 : vector<16xi1>, vector<16xf32>
    %get3A_312 = arith.constant 12 : i32
    %get3A_313 = arith.index_cast %get3A_312 : i32 to index
    %get3A_314 = arith.index_cast %multiple_of3A_65 : i32 to index
    %get3A_315 = tpu.vector_load %arg6[%get3A_313, %get3A_314] {strides = array<i32>} : memref<64x128xf32, #tpu.memory_space<vmem>>, vector<1x16xf32>,
    %get3A_316 = vector.shape_cast %get3A_315 : vector<1x16xf32> to vector<16xf32>
    %lt3A_317 = arith.constant 0 : i32
    %lt3A_318 = vector.broadcast %lt3A_317 : i32 to vector<16xi32>
    %lt3A_319 = arith.cmpi slt, %and3A_68, %lt3A_318 : vector<16xi32>
    %add3A_320 = arith.constant 16 : i32
    %add3A_321 = vector.broadcast %add3A_320 : i32 to vector<16xi32>
    %add3A_322 = arith.addi %and3A_68, %add3A_321 : vector<16xi32>
    %select_n3A_323 = arith.select %lt3A_319, %add3A_322, %and3A_68 : vector<16xi1>, vector<16xi32>
    %broadcast_in_dim3A_324 = vector.shape_cast %select_n3A_323 : vector<16xi32> to vector<16x1xi32>
    %gather3A_325 = vector.shape_cast %broadcast_in_dim3A_324 : vector<16x1xi32> to vector<16xi32>
    %gather3A_326 = tpu.dynamic_gather %get3A_316[%gather3A_325] in [0] : vector<16xf32>, vector<16xi32> -> vector<16xf32>
    %eq3A_327 = arith.constant 12 : i32
    %eq3A_328 = vector.broadcast %eq3A_327 : i32 to vector<16xi32>
    %eq3A_329 = arith.cmpi eq, %iota3A, %eq3A_328 : vector<16xi32>
    %select_n3A_330 = arith.select %eq3A_329, %gather3A_326, %select_n3A_311 : vector<16xi1>, vector<16xf32>
    %get3A_331 = arith.constant 13 : i32
    %get3A_332 = arith.index_cast %get3A_331 : i32 to index
    %get3A_333 = arith.index_cast %multiple_of3A_65 : i32 to index
    %get3A_334 = tpu.vector_load %arg6[%get3A_332, %get3A_333] {strides = array<i32>} : memref<64x128xf32, #tpu.memory_space<vmem>>, vector<1x16xf32>,
    %get3A_335 = vector.shape_cast %get3A_334 : vector<1x16xf32> to vector<16xf32>
    %lt3A_336 = arith.constant 0 : i32
    %lt3A_337 = vector.broadcast %lt3A_336 : i32 to vector<16xi32>
    %lt3A_338 = arith.cmpi slt, %and3A_68, %lt3A_337 : vector<16xi32>
    %add3A_339 = arith.constant 16 : i32
    %add3A_340 = vector.broadcast %add3A_339 : i32 to vector<16xi32>
    %add3A_341 = arith.addi %and3A_68, %add3A_340 : vector<16xi32>
    %select_n3A_342 = arith.select %lt3A_338, %add3A_341, %and3A_68 : vector<16xi1>, vector<16xi32>
    %broadcast_in_dim3A_343 = vector.shape_cast %select_n3A_342 : vector<16xi32> to vector<16x1xi32>
    %gather3A_344 = vector.shape_cast %broadcast_in_dim3A_343 : vector<16x1xi32> to vector<16xi32>
    %gather3A_345 = tpu.dynamic_gather %get3A_335[%gather3A_344] in [0] : vector<16xf32>, vector<16xi32> -> vector<16xf32>
    %eq3A_346 = arith.constant 13 : i32
    %eq3A_347 = vector.broadcast %eq3A_346 : i32 to vector<16xi32>
    %eq3A_348 = arith.cmpi eq, %iota3A, %eq3A_347 : vector<16xi32>
    %select_n3A_349 = arith.select %eq3A_348, %gather3A_345, %select_n3A_330 : vector<16xi1>, vector<16xf32>
    %get3A_350 = arith.constant 14 : i32
    %get3A_351 = arith.index_cast %get3A_350 : i32 to index
    %get3A_352 = arith.index_cast %multiple_of3A_65 : i32 to index
    %get3A_353 = tpu.vector_load %arg6[%get3A_351, %get3A_352] {strides = array<i32>} : memref<64x128xf32, #tpu.memory_space<vmem>>, vector<1x16xf32>,
    %get3A_354 = vector.shape_cast %get3A_353 : vector<1x16xf32> to vector<16xf32>
    %lt3A_355 = arith.constant 0 : i32
    %lt3A_356 = vector.broadcast %lt3A_355 : i32 to vector<16xi32>
    %lt3A_357 = arith.cmpi slt, %and3A_68, %lt3A_356 : vector<16xi32>
    %add3A_358 = arith.constant 16 : i32
    %add3A_359 = vector.broadcast %add3A_358 : i32 to vector<16xi32>
    %add3A_360 = arith.addi %and3A_68, %add3A_359 : vector<16xi32>
    %select_n3A_361 = arith.select %lt3A_357, %add3A_360, %and3A_68 : vector<16xi1>, vector<16xi32>
    %broadcast_in_dim3A_362 = vector.shape_cast %select_n3A_361 : vector<16xi32> to vector<16x1xi32>
    %gather3A_363 = vector.shape_cast %broadcast_in_dim3A_362 : vector<16x1xi32> to vector<16xi32>
    %gather3A_364 = tpu.dynamic_gather %get3A_354[%gather3A_363] in [0] : vector<16xf32>, vector<16xi32> -> vector<16xf32>
    %eq3A_365 = arith.constant 14 : i32
    %eq3A_366 = vector.broadcast %eq3A_365 : i32 to vector<16xi32>
    %eq3A_367 = arith.cmpi eq, %iota3A, %eq3A_366 : vector<16xi32>
    %select_n3A_368 = arith.select %eq3A_367, %gather3A_364, %select_n3A_349 : vector<16xi1>, vector<16xf32>
    %get3A_369 = arith.constant 15 : i32
    %get3A_370 = arith.index_cast %get3A_369 : i32 to index
    %get3A_371 = arith.index_cast %multiple_of3A_65 : i32 to index
    %get3A_372 = tpu.vector_load %arg6[%get3A_370, %get3A_371] {strides = array<i32>} : memref<64x128xf32, #tpu.memory_space<vmem>>, vector<1x16xf32>,
    %get3A_373 = vector.shape_cast %get3A_372 : vector<1x16xf32> to vector<16xf32>
    %lt3A_374 = arith.constant 0 : i32
    %lt3A_375 = vector.broadcast %lt3A_374 : i32 to vector<16xi32>
    %lt3A_376 = arith.cmpi slt, %and3A_68, %lt3A_375 : vector<16xi32>
    %add3A_377 = arith.constant 16 : i32
    %add3A_378 = vector.broadcast %add3A_377 : i32 to vector<16xi32>
    %add3A_379 = arith.addi %and3A_68, %add3A_378 : vector<16xi32>
    %select_n3A_380 = arith.select %lt3A_376, %add3A_379, %and3A_68 : vector<16xi1>, vector<16xi32>
    %broadcast_in_dim3A_381 = vector.shape_cast %select_n3A_380 : vector<16xi32> to vector<16x1xi32>
    %gather3A_382 = vector.shape_cast %broadcast_in_dim3A_381 : vector<16x1xi32> to vector<16xi32>
    %gather3A_383 = tpu.dynamic_gather %get3A_373[%gather3A_382] in [0] : vector<16xf32>, vector<16xi32> -> vector<16xf32>
    %eq3A_384 = arith.constant 15 : i32
    %eq3A_385 = vector.broadcast %eq3A_384 : i32 to vector<16xi32>
    %eq3A_386 = arith.cmpi eq, %iota3A, %eq3A_385 : vector<16xi32>
    %select_n3A_387 = arith.select %eq3A_386, %gather3A_383, %select_n3A_368 : vector<16xi1>, vector<16xf32>
    %sub3A_388 = arith.constant 1.000000e+00 : f32
    %sub3A_389 = vector.broadcast %sub3A_388 : f32 to vector<16xf32>
    %sub3A_390 = arith.subf %sub3A_389, %select_n3A_387 : vector<16xf32>
    %lt3A_391 = arith.constant 0 : i32
    %lt3A_392 = vector.broadcast %lt3A_391 : i32 to vector<16xi32>
    %lt3A_393 = arith.cmpi slt, %shift_right_arithmetic3A_70, %lt3A_392 : vector<16xi32>
    %add3A_394 = arith.constant 16 : i32
    %add3A_395 = vector.broadcast %add3A_394 : i32 to vector<16xi32>
    %add3A_396 = arith.addi %shift_right_arithmetic3A_70, %add3A_395 : vector<16xi32>
    %select_n3A_397 = arith.select %lt3A_393, %add3A_396, %shift_right_arithmetic3A_70 : vector<16xi1>, vector<16xi32>
    %broadcast_in_dim3A_398 = vector.shape_cast %select_n3A_397 : vector<16xi32> to vector<16x1xi32>
    %gather3A_399 = vector.shape_cast %broadcast_in_dim3A_398 : vector<16x1xi32> to vector<16xi32>
    %gather3A_400 = tpu.dynamic_gather %select_n3A_387[%gather3A_399] in [0] : vector<16xf32>, vector<16xi32> -> vector<16xf32>
    %lt3A_401 = arith.constant 0 : i32
    %lt3A_402 = vector.broadcast %lt3A_401 : i32 to vector<16xi32>
    %lt3A_403 = arith.cmpi slt, %shift_right_arithmetic3A_70, %lt3A_402 : vector<16xi32>
    %add3A_404 = arith.constant 16 : i32
    %add3A_405 = vector.broadcast %add3A_404 : i32 to vector<16xi32>
    %add3A_406 = arith.addi %shift_right_arithmetic3A_70, %add3A_405 : vector<16xi32>
    %select_n3A_407 = arith.select %lt3A_403, %add3A_406, %shift_right_arithmetic3A_70 : vector<16xi1>, vector<16xi32>
    %broadcast_in_dim3A_408 = vector.shape_cast %select_n3A_407 : vector<16xi32> to vector<16x1xi32>
    %gather3A_409 = vector.shape_cast %broadcast_in_dim3A_408 : vector<16x1xi32> to vector<16xi32>
    %gather3A_410 = tpu.dynamic_gather %sub3A_390[%gather3A_409] in [0] : vector<16xf32>, vector<16xi32> -> vector<16xf32>
    %select_n3A_411 = arith.select %eq3A_75, %gather3A_400, %gather3A_410 : vector<16xi1>, vector<16xf32>
    %add3A_412 = arith.constant 8 : i32
    %add3A_413 = vector.broadcast %add3A_412 : i32 to vector<16xi32>
    %add3A_414 = arith.addi %add3A_413, %shift_right_arithmetic3A_70 : vector<16xi32>
    %lt3A_415 = arith.constant 0 : i32
    %lt3A_416 = vector.broadcast %lt3A_415 : i32 to vector<16xi32>
    %lt3A_417 = arith.cmpi slt, %add3A_414, %lt3A_416 : vector<16xi32>
    %add3A_418 = arith.constant 16 : i32
    %add3A_419 = vector.broadcast %add3A_418 : i32 to vector<16xi32>
    %add3A_420 = arith.addi %add3A_414, %add3A_419 : vector<16xi32>
    %select_n3A_421 = arith.select %lt3A_417, %add3A_420, %add3A_414 : vector<16xi1>, vector<16xi32>
    %broadcast_in_dim3A_422 = vector.shape_cast %select_n3A_421 : vector<16xi32> to vector<16x1xi32>
    %gather3A_423 = vector.shape_cast %broadcast_in_dim3A_422 : vector<16x1xi32> to vector<16xi32>
    %gather3A_424 = tpu.dynamic_gather %select_n3A_387[%gather3A_423] in [0] : vector<16xf32>, vector<16xi32> -> vector<16xf32>
    %add3A_425 = arith.constant 8 : i32
    %add3A_426 = vector.broadcast %add3A_425 : i32 to vector<16xi32>
    %add3A_427 = arith.addi %add3A_426, %shift_right_arithmetic3A_70 : vector<16xi32>
    %lt3A_428 = arith.constant 0 : i32
    %lt3A_429 = vector.broadcast %lt3A_428 : i32 to vector<16xi32>
    %lt3A_430 = arith.cmpi slt, %add3A_427, %lt3A_429 : vector<16xi32>
    %add3A_431 = arith.constant 16 : i32
    %add3A_432 = vector.broadcast %add3A_431 : i32 to vector<16xi32>
    %add3A_433 = arith.addi %add3A_427, %add3A_432 : vector<16xi32>
    %select_n3A_434 = arith.select %lt3A_430, %add3A_433, %add3A_427 : vector<16xi1>, vector<16xi32>
    %broadcast_in_dim3A_435 = vector.shape_cast %select_n3A_434 : vector<16xi32> to vector<16x1xi32>
    %gather3A_436 = vector.shape_cast %broadcast_in_dim3A_435 : vector<16x1xi32> to vector<16xi32>
    %gather3A_437 = tpu.dynamic_gather %sub3A_390[%gather3A_436] in [0] : vector<16xf32>, vector<16xi32> -> vector<16xf32>
    %select_n3A_438 = arith.select %eq3A_75, %gather3A_424, %gather3A_437 : vector<16xi1>, vector<16xf32>
    %swap3A = arith.constant 0 : index
    %swap3A_439 = tpu.vector_load %arg7[%swap3A] {strides = array<i32>} : memref<128xf32, #tpu.memory_space<vmem>>, vector<16xf32>,
    %swap3A_440 = vector.shape_cast %swap3A_439 : vector<16xf32> to vector<16xf32>
    %swap3A_441 = vector.shape_cast %select_n3A_411 : vector<16xf32> to vector<16xf32>
    tpu.vector_store %arg7[%swap3A], %swap3A_441 {strides = array<i32>} : memref<128xf32, #tpu.memory_space<vmem>>, vector<16xf32>,
    %swap3A_442 = arith.constant 16 : index
    %swap3A_443 = tpu.vector_load %arg7[%swap3A_442] {strides = array<i32>} : memref<128xf32, #tpu.memory_space<vmem>>, vector<16xf32>,
    %swap3A_444 = vector.shape_cast %swap3A_443 : vector<16xf32> to vector<16xf32>
    %swap3A_445 = vector.shape_cast %select_n3A_438 : vector<16xf32> to vector<16xf32>
    tpu.vector_store %arg7[%swap3A_442], %swap3A_445 {strides = array<i32>} : memref<128xf32, #tpu.memory_space<vmem>>, vector<16xf32>,
    %get3A_446 = arith.constant 16 : i32
    %get3A_447 = arith.index_cast %get3A_446 : i32 to index
    %get3A_448 = arith.index_cast %multiple_of3A_65 : i32 to index
    %get3A_449 = tpu.vector_load %arg6[%get3A_447, %get3A_448] {strides = array<i32>} : memref<64x128xf32, #tpu.memory_space<vmem>>, vector<1x16xf32>,
    %get3A_450 = vector.shape_cast %get3A_449 : vector<1x16xf32> to vector<16xf32>
    %lt3A_451 = arith.constant 0 : i32
    %lt3A_452 = vector.broadcast %lt3A_451 : i32 to vector<16xi32>
    %lt3A_453 = arith.cmpi slt, %and3A_68, %lt3A_452 : vector<16xi32>
    %add3A_454 = arith.constant 16 : i32
    %add3A_455 = vector.broadcast %add3A_454 : i32 to vector<16xi32>
    %add3A_456 = arith.addi %and3A_68, %add3A_455 : vector<16xi32>
    %select_n3A_457 = arith.select %lt3A_453, %add3A_456, %and3A_68 : vector<16xi1>, vector<16xi32>
    %broadcast_in_dim3A_458 = vector.shape_cast %select_n3A_457 : vector<16xi32> to vector<16x1xi32>
    %gather3A_459 = vector.shape_cast %broadcast_in_dim3A_458 : vector<16x1xi32> to vector<16xi32>
    %gather3A_460 = tpu.dynamic_gather %get3A_450[%gather3A_459] in [0] : vector<16xf32>, vector<16xi32> -> vector<16xf32>
    %eq3A_461 = arith.constant 0 : i32
    %eq3A_462 = vector.broadcast %eq3A_461 : i32 to vector<16xi32>
    %eq3A_463 = arith.cmpi eq, %iota3A, %eq3A_462 : vector<16xi32>
    %select_n3A_464 = arith.select %eq3A_463, %gather3A_460, %select_n3A_83 : vector<16xi1>, vector<16xf32>
    %get3A_465 = arith.constant 17 : i32
    %get3A_466 = arith.index_cast %get3A_465 : i32 to index
    %get3A_467 = arith.index_cast %multiple_of3A_65 : i32 to index
    %get3A_468 = tpu.vector_load %arg6[%get3A_466, %get3A_467] {strides = array<i32>} : memref<64x128xf32, #tpu.memory_space<vmem>>, vector<1x16xf32>,
    %get3A_469 = vector.shape_cast %get3A_468 : vector<1x16xf32> to vector<16xf32>
    %lt3A_470 = arith.constant 0 : i32
    %lt3A_471 = vector.broadcast %lt3A_470 : i32 to vector<16xi32>
    %lt3A_472 = arith.cmpi slt, %and3A_68, %lt3A_471 : vector<16xi32>
    %add3A_473 = arith.constant 16 : i32
    %add3A_474 = vector.broadcast %add3A_473 : i32 to vector<16xi32>
    %add3A_475 = arith.addi %and3A_68, %add3A_474 : vector<16xi32>
    %select_n3A_476 = arith.select %lt3A_472, %add3A_475, %and3A_68 : vector<16xi1>, vector<16xi32>
    %broadcast_in_dim3A_477 = vector.shape_cast %select_n3A_476 : vector<16xi32> to vector<16x1xi32>
    %gather3A_478 = vector.shape_cast %broadcast_in_dim3A_477 : vector<16x1xi32> to vector<16xi32>
    %gather3A_479 = tpu.dynamic_gather %get3A_469[%gather3A_478] in [0] : vector<16xf32>, vector<16xi32> -> vector<16xf32>
    %eq3A_480 = arith.constant 1 : i32
    %eq3A_481 = vector.broadcast %eq3A_480 : i32 to vector<16xi32>
    %eq3A_482 = arith.cmpi eq, %iota3A, %eq3A_481 : vector<16xi32>
    %select_n3A_483 = arith.select %eq3A_482, %gather3A_479, %select_n3A_464 : vector<16xi1>, vector<16xf32>
    %get3A_484 = arith.constant 18 : i32
    %get3A_485 = arith.index_cast %get3A_484 : i32 to index
    %get3A_486 = arith.index_cast %multiple_of3A_65 : i32 to index
    %get3A_487 = tpu.vector_load %arg6[%get3A_485, %get3A_486] {strides = array<i32>} : memref<64x128xf32, #tpu.memory_space<vmem>>, vector<1x16xf32>,
    %get3A_488 = vector.shape_cast %get3A_487 : vector<1x16xf32> to vector<16xf32>
    %lt3A_489 = arith.constant 0 : i32
    %lt3A_490 = vector.broadcast %lt3A_489 : i32 to vector<16xi32>
    %lt3A_491 = arith.cmpi slt, %and3A_68, %lt3A_490 : vector<16xi32>
    %add3A_492 = arith.constant 16 : i32
    %add3A_493 = vector.broadcast %add3A_492 : i32 to vector<16xi32>
    %add3A_494 = arith.addi %and3A_68, %add3A_493 : vector<16xi32>
    %select_n3A_495 = arith.select %lt3A_491, %add3A_494, %and3A_68 : vector<16xi1>, vector<16xi32>
    %broadcast_in_dim3A_496 = vector.shape_cast %select_n3A_495 : vector<16xi32> to vector<16x1xi32>
    %gather3A_497 = vector.shape_cast %broadcast_in_dim3A_496 : vector<16x1xi32> to vector<16xi32>
    %gather3A_498 = tpu.dynamic_gather %get3A_488[%gather3A_497] in [0] : vector<16xf32>, vector<16xi32> -> vector<16xf32>
    %eq3A_499 = arith.constant 2 : i32
    %eq3A_500 = vector.broadcast %eq3A_499 : i32 to vector<16xi32>
    %eq3A_501 = arith.cmpi eq, %iota3A, %eq3A_500 : vector<16xi32>
    %select_n3A_502 = arith.select %eq3A_501, %gather3A_498, %select_n3A_483 : vector<16xi1>, vector<16xf32>
    %get3A_503 = arith.constant 19 : i32
    %get3A_504 = arith.index_cast %get3A_503 : i32 to index
    %get3A_505 = arith.index_cast %multiple_of3A_65 : i32 to index
    %get3A_506 = tpu.vector_load %arg6[%get3A_504, %get3A_505] {strides = array<i32>} : memref<64x128xf32, #tpu.memory_space<vmem>>, vector<1x16xf32>,
    %get3A_507 = vector.shape_cast %get3A_506 : vector<1x16xf32> to vector<16xf32>
    %lt3A_508 = arith.constant 0 : i32
    %lt3A_509 = vector.broadcast %lt3A_508 : i32 to vector<16xi32>
    %lt3A_510 = arith.cmpi slt, %and3A_68, %lt3A_509 : vector<16xi32>
    %add3A_511 = arith.constant 16 : i32
    %add3A_512 = vector.broadcast %add3A_511 : i32 to vector<16xi32>
    %add3A_513 = arith.addi %and3A_68, %add3A_512 : vector<16xi32>
    %select_n3A_514 = arith.select %lt3A_510, %add3A_513, %and3A_68 : vector<16xi1>, vector<16xi32>
    %broadcast_in_dim3A_515 = vector.shape_cast %select_n3A_514 : vector<16xi32> to vector<16x1xi32>
    %gather3A_516 = vector.shape_cast %broadcast_in_dim3A_515 : vector<16x1xi32> to vector<16xi32>
    %gather3A_517 = tpu.dynamic_gather %get3A_507[%gather3A_516] in [0] : vector<16xf32>, vector<16xi32> -> vector<16xf32>
    %eq3A_518 = arith.constant 3 : i32
    %eq3A_519 = vector.broadcast %eq3A_518 : i32 to vector<16xi32>
    %eq3A_520 = arith.cmpi eq, %iota3A, %eq3A_519 : vector<16xi32>
    %select_n3A_521 = arith.select %eq3A_520, %gather3A_517, %select_n3A_502 : vector<16xi1>, vector<16xf32>
    %get3A_522 = arith.constant 20 : i32
    %get3A_523 = arith.index_cast %get3A_522 : i32 to index
    %get3A_524 = arith.index_cast %multiple_of3A_65 : i32 to index
    %get3A_525 = tpu.vector_load %arg6[%get3A_523, %get3A_524] {strides = array<i32>} : memref<64x128xf32, #tpu.memory_space<vmem>>, vector<1x16xf32>,
    %get3A_526 = vector.shape_cast %get3A_525 : vector<1x16xf32> to vector<16xf32>
    %lt3A_527 = arith.constant 0 : i32
    %lt3A_528 = vector.broadcast %lt3A_527 : i32 to vector<16xi32>
    %lt3A_529 = arith.cmpi slt, %and3A_68, %lt3A_528 : vector<16xi32>
    %add3A_530 = arith.constant 16 : i32
    %add3A_531 = vector.broadcast %add3A_530 : i32 to vector<16xi32>
    %add3A_532 = arith.addi %and3A_68, %add3A_531 : vector<16xi32>
    %select_n3A_533 = arith.select %lt3A_529, %add3A_532, %and3A_68 : vector<16xi1>, vector<16xi32>
    %broadcast_in_dim3A_534 = vector.shape_cast %select_n3A_533 : vector<16xi32> to vector<16x1xi32>
    %gather3A_535 = vector.shape_cast %broadcast_in_dim3A_534 : vector<16x1xi32> to vector<16xi32>
    %gather3A_536 = tpu.dynamic_gather %get3A_526[%gather3A_535] in [0] : vector<16xf32>, vector<16xi32> -> vector<16xf32>
    %eq3A_537 = arith.constant 4 : i32
    %eq3A_538 = vector.broadcast %eq3A_537 : i32 to vector<16xi32>
    %eq3A_539 = arith.cmpi eq, %iota3A, %eq3A_538 : vector<16xi32>
    %select_n3A_540 = arith.select %eq3A_539, %gather3A_536, %select_n3A_521 : vector<16xi1>, vector<16xf32>
    %get3A_541 = arith.constant 21 : i32
    %get3A_542 = arith.index_cast %get3A_541 : i32 to index
    %get3A_543 = arith.index_cast %multiple_of3A_65 : i32 to index
    %get3A_544 = tpu.vector_load %arg6[%get3A_542, %get3A_543] {strides = array<i32>} : memref<64x128xf32, #tpu.memory_space<vmem>>, vector<1x16xf32>,
    %get3A_545 = vector.shape_cast %get3A_544 : vector<1x16xf32> to vector<16xf32>
    %lt3A_546 = arith.constant 0 : i32
    %lt3A_547 = vector.broadcast %lt3A_546 : i32 to vector<16xi32>
    %lt3A_548 = arith.cmpi slt, %and3A_68, %lt3A_547 : vector<16xi32>
    %add3A_549 = arith.constant 16 : i32
    %add3A_550 = vector.broadcast %add3A_549 : i32 to vector<16xi32>
    %add3A_551 = arith.addi %and3A_68, %add3A_550 : vector<16xi32>
    %select_n3A_552 = arith.select %lt3A_548, %add3A_551, %and3A_68 : vector<16xi1>, vector<16xi32>
    %broadcast_in_dim3A_553 = vector.shape_cast %select_n3A_552 : vector<16xi32> to vector<16x1xi32>
    %gather3A_554 = vector.shape_cast %broadcast_in_dim3A_553 : vector<16x1xi32> to vector<16xi32>
    %gather3A_555 = tpu.dynamic_gather %get3A_545[%gather3A_554] in [0] : vector<16xf32>, vector<16xi32> -> vector<16xf32>
    %eq3A_556 = arith.constant 5 : i32
    %eq3A_557 = vector.broadcast %eq3A_556 : i32 to vector<16xi32>
    %eq3A_558 = arith.cmpi eq, %iota3A, %eq3A_557 : vector<16xi32>
    %select_n3A_559 = arith.select %eq3A_558, %gather3A_555, %select_n3A_540 : vector<16xi1>, vector<16xf32>
    %get3A_560 = arith.constant 22 : i32
    %get3A_561 = arith.index_cast %get3A_560 : i32 to index
    %get3A_562 = arith.index_cast %multiple_of3A_65 : i32 to index
    %get3A_563 = tpu.vector_load %arg6[%get3A_561, %get3A_562] {strides = array<i32>} : memref<64x128xf32, #tpu.memory_space<vmem>>, vector<1x16xf32>,
    %get3A_564 = vector.shape_cast %get3A_563 : vector<1x16xf32> to vector<16xf32>
    %lt3A_565 = arith.constant 0 : i32
    %lt3A_566 = vector.broadcast %lt3A_565 : i32 to vector<16xi32>
    %lt3A_567 = arith.cmpi slt, %and3A_68, %lt3A_566 : vector<16xi32>
    %add3A_568 = arith.constant 16 : i32
    %add3A_569 = vector.broadcast %add3A_568 : i32 to vector<16xi32>
    %add3A_570 = arith.addi %and3A_68, %add3A_569 : vector<16xi32>
    %select_n3A_571 = arith.select %lt3A_567, %add3A_570, %and3A_68 : vector<16xi1>, vector<16xi32>
    %broadcast_in_dim3A_572 = vector.shape_cast %select_n3A_571 : vector<16xi32> to vector<16x1xi32>
    %gather3A_573 = vector.shape_cast %broadcast_in_dim3A_572 : vector<16x1xi32> to vector<16xi32>
    %gather3A_574 = tpu.dynamic_gather %get3A_564[%gather3A_573] in [0] : vector<16xf32>, vector<16xi32> -> vector<16xf32>
    %eq3A_575 = arith.constant 6 : i32
    %eq3A_576 = vector.broadcast %eq3A_575 : i32 to vector<16xi32>
    %eq3A_577 = arith.cmpi eq, %iota3A, %eq3A_576 : vector<16xi32>
    %select_n3A_578 = arith.select %eq3A_577, %gather3A_574, %select_n3A_559 : vector<16xi1>, vector<16xf32>
    %get3A_579 = arith.constant 23 : i32
    %get3A_580 = arith.index_cast %get3A_579 : i32 to index
    %get3A_581 = arith.index_cast %multiple_of3A_65 : i32 to index
    %get3A_582 = tpu.vector_load %arg6[%get3A_580, %get3A_581] {strides = array<i32>} : memref<64x128xf32, #tpu.memory_space<vmem>>, vector<1x16xf32>,
    %get3A_583 = vector.shape_cast %get3A_582 : vector<1x16xf32> to vector<16xf32>
    %lt3A_584 = arith.constant 0 : i32
    %lt3A_585 = vector.broadcast %lt3A_584 : i32 to vector<16xi32>
    %lt3A_586 = arith.cmpi slt, %and3A_68, %lt3A_585 : vector<16xi32>
    %add3A_587 = arith.constant 16 : i32
    %add3A_588 = vector.broadcast %add3A_587 : i32 to vector<16xi32>
    %add3A_589 = arith.addi %and3A_68, %add3A_588 : vector<16xi32>
    %select_n3A_590 = arith.select %lt3A_586, %add3A_589, %and3A_68 : vector<16xi1>, vector<16xi32>
    %broadcast_in_dim3A_591 = vector.shape_cast %select_n3A_590 : vector<16xi32> to vector<16x1xi32>
    %gather3A_592 = vector.shape_cast %broadcast_in_dim3A_591 : vector<16x1xi32> to vector<16xi32>
    %gather3A_593 = tpu.dynamic_gather %get3A_583[%gather3A_592] in [0] : vector<16xf32>, vector<16xi32> -> vector<16xf32>
    %eq3A_594 = arith.constant 7 : i32
    %eq3A_595 = vector.broadcast %eq3A_594 : i32 to vector<16xi32>
    %eq3A_596 = arith.cmpi eq, %iota3A, %eq3A_595 : vector<16xi32>
    %select_n3A_597 = arith.select %eq3A_596, %gather3A_593, %select_n3A_578 : vector<16xi1>, vector<16xf32>
    %get3A_598 = arith.constant 24 : i32
    %get3A_599 = arith.index_cast %get3A_598 : i32 to index
    %get3A_600 = arith.index_cast %multiple_of3A_65 : i32 to index
    %get3A_601 = tpu.vector_load %arg6[%get3A_599, %get3A_600] {strides = array<i32>} : memref<64x128xf32, #tpu.memory_space<vmem>>, vector<1x16xf32>,
    %get3A_602 = vector.shape_cast %get3A_601 : vector<1x16xf32> to vector<16xf32>
    %lt3A_603 = arith.constant 0 : i32
    %lt3A_604 = vector.broadcast %lt3A_603 : i32 to vector<16xi32>
    %lt3A_605 = arith.cmpi slt, %and3A_68, %lt3A_604 : vector<16xi32>
    %add3A_606 = arith.constant 16 : i32
    %add3A_607 = vector.broadcast %add3A_606 : i32 to vector<16xi32>
    %add3A_608 = arith.addi %and3A_68, %add3A_607 : vector<16xi32>
    %select_n3A_609 = arith.select %lt3A_605, %add3A_608, %and3A_68 : vector<16xi1>, vector<16xi32>
    %broadcast_in_dim3A_610 = vector.shape_cast %select_n3A_609 : vector<16xi32> to vector<16x1xi32>
    %gather3A_611 = vector.shape_cast %broadcast_in_dim3A_610 : vector<16x1xi32> to vector<16xi32>
    %gather3A_612 = tpu.dynamic_gather %get3A_602[%gather3A_611] in [0] : vector<16xf32>, vector<16xi32> -> vector<16xf32>
    %eq3A_613 = arith.constant 8 : i32
    %eq3A_614 = vector.broadcast %eq3A_613 : i32 to vector<16xi32>
    %eq3A_615 = arith.cmpi eq, %iota3A, %eq3A_614 : vector<16xi32>
    %select_n3A_616 = arith.select %eq3A_615, %gather3A_612, %select_n3A_597 : vector<16xi1>, vector<16xf32>
    %get3A_617 = arith.constant 25 : i32
    %get3A_618 = arith.index_cast %get3A_617 : i32 to index
    %get3A_619 = arith.index_cast %multiple_of3A_65 : i32 to index
    %get3A_620 = tpu.vector_load %arg6[%get3A_618, %get3A_619] {strides = array<i32>} : memref<64x128xf32, #tpu.memory_space<vmem>>, vector<1x16xf32>,
    %get3A_621 = vector.shape_cast %get3A_620 : vector<1x16xf32> to vector<16xf32>
    %lt3A_622 = arith.constant 0 : i32
    %lt3A_623 = vector.broadcast %lt3A_622 : i32 to vector<16xi32>
    %lt3A_624 = arith.cmpi slt, %and3A_68, %lt3A_623 : vector<16xi32>
    %add3A_625 = arith.constant 16 : i32
    %add3A_626 = vector.broadcast %add3A_625 : i32 to vector<16xi32>
    %add3A_627 = arith.addi %and3A_68, %add3A_626 : vector<16xi32>
    %select_n3A_628 = arith.select %lt3A_624, %add3A_627, %and3A_68 : vector<16xi1>, vector<16xi32>
    %broadcast_in_dim3A_629 = vector.shape_cast %select_n3A_628 : vector<16xi32> to vector<16x1xi32>
    %gather3A_630 = vector.shape_cast %broadcast_in_dim3A_629 : vector<16x1xi32> to vector<16xi32>
    %gather3A_631 = tpu.dynamic_gather %get3A_621[%gather3A_630] in [0] : vector<16xf32>, vector<16xi32> -> vector<16xf32>
    %eq3A_632 = arith.constant 9 : i32
    %eq3A_633 = vector.broadcast %eq3A_632 : i32 to vector<16xi32>
    %eq3A_634 = arith.cmpi eq, %iota3A, %eq3A_633 : vector<16xi32>
    %select_n3A_635 = arith.select %eq3A_634, %gather3A_631, %select_n3A_616 : vector<16xi1>, vector<16xf32>
    %get3A_636 = arith.constant 26 : i32
    %get3A_637 = arith.index_cast %get3A_636 : i32 to index
    %get3A_638 = arith.index_cast %multiple_of3A_65 : i32 to index
    %get3A_639 = tpu.vector_load %arg6[%get3A_637, %get3A_638] {strides = array<i32>} : memref<64x128xf32, #tpu.memory_space<vmem>>, vector<1x16xf32>,
    %get3A_640 = vector.shape_cast %get3A_639 : vector<1x16xf32> to vector<16xf32>
    %lt3A_641 = arith.constant 0 : i32
    %lt3A_642 = vector.broadcast %lt3A_641 : i32 to vector<16xi32>
    %lt3A_643 = arith.cmpi slt, %and3A_68, %lt3A_642 : vector<16xi32>
    %add3A_644 = arith.constant 16 : i32
    %add3A_645 = vector.broadcast %add3A_644 : i32 to vector<16xi32>
    %add3A_646 = arith.addi %and3A_68, %add3A_645 : vector<16xi32>
    %select_n3A_647 = arith.select %lt3A_643, %add3A_646, %and3A_68 : vector<16xi1>, vector<16xi32>
    %broadcast_in_dim3A_648 = vector.shape_cast %select_n3A_647 : vector<16xi32> to vector<16x1xi32>
    %gather3A_649 = vector.shape_cast %broadcast_in_dim3A_648 : vector<16x1xi32> to vector<16xi32>
    %gather3A_650 = tpu.dynamic_gather %get3A_640[%gather3A_649] in [0] : vector<16xf32>, vector<16xi32> -> vector<16xf32>
    %eq3A_651 = arith.constant 10 : i32
    %eq3A_652 = vector.broadcast %eq3A_651 : i32 to vector<16xi32>
    %eq3A_653 = arith.cmpi eq, %iota3A, %eq3A_652 : vector<16xi32>
    %select_n3A_654 = arith.select %eq3A_653, %gather3A_650, %select_n3A_635 : vector<16xi1>, vector<16xf32>
    %get3A_655 = arith.constant 27 : i32
    %get3A_656 = arith.index_cast %get3A_655 : i32 to index
    %get3A_657 = arith.index_cast %multiple_of3A_65 : i32 to index
    %get3A_658 = tpu.vector_load %arg6[%get3A_656, %get3A_657] {strides = array<i32>} : memref<64x128xf32, #tpu.memory_space<vmem>>, vector<1x16xf32>,
    %get3A_659 = vector.shape_cast %get3A_658 : vector<1x16xf32> to vector<16xf32>
    %lt3A_660 = arith.constant 0 : i32
    %lt3A_661 = vector.broadcast %lt3A_660 : i32 to vector<16xi32>
    %lt3A_662 = arith.cmpi slt, %and3A_68, %lt3A_661 : vector<16xi32>
    %add3A_663 = arith.constant 16 : i32
    %add3A_664 = vector.broadcast %add3A_663 : i32 to vector<16xi32>
    %add3A_665 = arith.addi %and3A_68, %add3A_664 : vector<16xi32>
    %select_n3A_666 = arith.select %lt3A_662, %add3A_665, %and3A_68 : vector<16xi1>, vector<16xi32>
    %broadcast_in_dim3A_667 = vector.shape_cast %select_n3A_666 : vector<16xi32> to vector<16x1xi32>
    %gather3A_668 = vector.shape_cast %broadcast_in_dim3A_667 : vector<16x1xi32> to vector<16xi32>
    %gather3A_669 = tpu.dynamic_gather %get3A_659[%gather3A_668] in [0] : vector<16xf32>, vector<16xi32> -> vector<16xf32>
    %eq3A_670 = arith.constant 11 : i32
    %eq3A_671 = vector.broadcast %eq3A_670 : i32 to vector<16xi32>
    %eq3A_672 = arith.cmpi eq, %iota3A, %eq3A_671 : vector<16xi32>
    %select_n3A_673 = arith.select %eq3A_672, %gather3A_669, %select_n3A_654 : vector<16xi1>, vector<16xf32>
    %get3A_674 = arith.constant 28 : i32
    %get3A_675 = arith.index_cast %get3A_674 : i32 to index
    %get3A_676 = arith.index_cast %multiple_of3A_65 : i32 to index
    %get3A_677 = tpu.vector_load %arg6[%get3A_675, %get3A_676] {strides = array<i32>} : memref<64x128xf32, #tpu.memory_space<vmem>>, vector<1x16xf32>,
    %get3A_678 = vector.shape_cast %get3A_677 : vector<1x16xf32> to vector<16xf32>
    %lt3A_679 = arith.constant 0 : i32
    %lt3A_680 = vector.broadcast %lt3A_679 : i32 to vector<16xi32>
    %lt3A_681 = arith.cmpi slt, %and3A_68, %lt3A_680 : vector<16xi32>
    %add3A_682 = arith.constant 16 : i32
    %add3A_683 = vector.broadcast %add3A_682 : i32 to vector<16xi32>
    %add3A_684 = arith.addi %and3A_68, %add3A_683 : vector<16xi32>
    %select_n3A_685 = arith.select %lt3A_681, %add3A_684, %and3A_68 : vector<16xi1>, vector<16xi32>
    %broadcast_in_dim3A_686 = vector.shape_cast %select_n3A_685 : vector<16xi32> to vector<16x1xi32>
    %gather3A_687 = vector.shape_cast %broadcast_in_dim3A_686 : vector<16x1xi32> to vector<16xi32>
    %gather3A_688 = tpu.dynamic_gather %get3A_678[%gather3A_687] in [0] : vector<16xf32>, vector<16xi32> -> vector<16xf32>
    %eq3A_689 = arith.constant 12 : i32
    %eq3A_690 = vector.broadcast %eq3A_689 : i32 to vector<16xi32>
    %eq3A_691 = arith.cmpi eq, %iota3A, %eq3A_690 : vector<16xi32>
    %select_n3A_692 = arith.select %eq3A_691, %gather3A_688, %select_n3A_673 : vector<16xi1>, vector<16xf32>
    %get3A_693 = arith.constant 29 : i32
    %get3A_694 = arith.index_cast %get3A_693 : i32 to index
    %get3A_695 = arith.index_cast %multiple_of3A_65 : i32 to index
    %get3A_696 = tpu.vector_load %arg6[%get3A_694, %get3A_695] {strides = array<i32>} : memref<64x128xf32, #tpu.memory_space<vmem>>, vector<1x16xf32>,
    %get3A_697 = vector.shape_cast %get3A_696 : vector<1x16xf32> to vector<16xf32>
    %lt3A_698 = arith.constant 0 : i32
    %lt3A_699 = vector.broadcast %lt3A_698 : i32 to vector<16xi32>
    %lt3A_700 = arith.cmpi slt, %and3A_68, %lt3A_699 : vector<16xi32>
    %add3A_701 = arith.constant 16 : i32
    %add3A_702 = vector.broadcast %add3A_701 : i32 to vector<16xi32>
    %add3A_703 = arith.addi %and3A_68, %add3A_702 : vector<16xi32>
    %select_n3A_704 = arith.select %lt3A_700, %add3A_703, %and3A_68 : vector<16xi1>, vector<16xi32>
    %broadcast_in_dim3A_705 = vector.shape_cast %select_n3A_704 : vector<16xi32> to vector<16x1xi32>
    %gather3A_706 = vector.shape_cast %broadcast_in_dim3A_705 : vector<16x1xi32> to vector<16xi32>
    %gather3A_707 = tpu.dynamic_gather %get3A_697[%gather3A_706] in [0] : vector<16xf32>, vector<16xi32> -> vector<16xf32>
    %eq3A_708 = arith.constant 13 : i32
    %eq3A_709 = vector.broadcast %eq3A_708 : i32 to vector<16xi32>
    %eq3A_710 = arith.cmpi eq, %iota3A, %eq3A_709 : vector<16xi32>
    %select_n3A_711 = arith.select %eq3A_710, %gather3A_707, %select_n3A_692 : vector<16xi1>, vector<16xf32>
    %get3A_712 = arith.constant 30 : i32
    %get3A_713 = arith.index_cast %get3A_712 : i32 to index
    %get3A_714 = arith.index_cast %multiple_of3A_65 : i32 to index
    %get3A_715 = tpu.vector_load %arg6[%get3A_713, %get3A_714] {strides = array<i32>} : memref<64x128xf32, #tpu.memory_space<vmem>>, vector<1x16xf32>,
    %get3A_716 = vector.shape_cast %get3A_715 : vector<1x16xf32> to vector<16xf32>
    %lt3A_717 = arith.constant 0 : i32
    %lt3A_718 = vector.broadcast %lt3A_717 : i32 to vector<16xi32>
    %lt3A_719 = arith.cmpi slt, %and3A_68, %lt3A_718 : vector<16xi32>
    %add3A_720 = arith.constant 16 : i32
    %add3A_721 = vector.broadcast %add3A_720 : i32 to vector<16xi32>
    %add3A_722 = arith.addi %and3A_68, %add3A_721 : vector<16xi32>
    %select_n3A_723 = arith.select %lt3A_719, %add3A_722, %and3A_68 : vector<16xi1>, vector<16xi32>
    %broadcast_in_dim3A_724 = vector.shape_cast %select_n3A_723 : vector<16xi32> to vector<16x1xi32>
    %gather3A_725 = vector.shape_cast %broadcast_in_dim3A_724 : vector<16x1xi32> to vector<16xi32>
    %gather3A_726 = tpu.dynamic_gather %get3A_716[%gather3A_725] in [0] : vector<16xf32>, vector<16xi32> -> vector<16xf32>
    %eq3A_727 = arith.constant 14 : i32
    %eq3A_728 = vector.broadcast %eq3A_727 : i32 to vector<16xi32>
    %eq3A_729 = arith.cmpi eq, %iota3A, %eq3A_728 : vector<16xi32>
    %select_n3A_730 = arith.select %eq3A_729, %gather3A_726, %select_n3A_711 : vector<16xi1>, vector<16xf32>
    %get3A_731 = arith.constant 31 : i32
    %get3A_732 = arith.index_cast %get3A_731 : i32 to index
    %get3A_733 = arith.index_cast %multiple_of3A_65 : i32 to index
    %get3A_734 = tpu.vector_load %arg6[%get3A_732, %get3A_733] {strides = array<i32>} : memref<64x128xf32, #tpu.memory_space<vmem>>, vector<1x16xf32>,
    %get3A_735 = vector.shape_cast %get3A_734 : vector<1x16xf32> to vector<16xf32>
    %lt3A_736 = arith.constant 0 : i32
    %lt3A_737 = vector.broadcast %lt3A_736 : i32 to vector<16xi32>
    %lt3A_738 = arith.cmpi slt, %and3A_68, %lt3A_737 : vector<16xi32>
    %add3A_739 = arith.constant 16 : i32
    %add3A_740 = vector.broadcast %add3A_739 : i32 to vector<16xi32>
    %add3A_741 = arith.addi %and3A_68, %add3A_740 : vector<16xi32>
    %select_n3A_742 = arith.select %lt3A_738, %add3A_741, %and3A_68 : vector<16xi1>, vector<16xi32>
    %broadcast_in_dim3A_743 = vector.shape_cast %select_n3A_742 : vector<16xi32> to vector<16x1xi32>
    %gather3A_744 = vector.shape_cast %broadcast_in_dim3A_743 : vector<16x1xi32> to vector<16xi32>
    %gather3A_745 = tpu.dynamic_gather %get3A_735[%gather3A_744] in [0] : vector<16xf32>, vector<16xi32> -> vector<16xf32>
    %eq3A_746 = arith.constant 15 : i32
    %eq3A_747 = vector.broadcast %eq3A_746 : i32 to vector<16xi32>
    %eq3A_748 = arith.cmpi eq, %iota3A, %eq3A_747 : vector<16xi32>
    %select_n3A_749 = arith.select %eq3A_748, %gather3A_745, %select_n3A_730 : vector<16xi1>, vector<16xf32>
    %sub3A_750 = arith.constant 1.000000e+00 : f32
    %sub3A_751 = vector.broadcast %sub3A_750 : f32 to vector<16xf32>
    %sub3A_752 = arith.subf %sub3A_751, %select_n3A_749 : vector<16xf32>
    %lt3A_753 = arith.constant 0 : i32
    %lt3A_754 = vector.broadcast %lt3A_753 : i32 to vector<16xi32>
    %lt3A_755 = arith.cmpi slt, %shift_right_arithmetic3A_70, %lt3A_754 : vector<16xi32>
    %add3A_756 = arith.constant 16 : i32
    %add3A_757 = vector.broadcast %add3A_756 : i32 to vector<16xi32>
    %add3A_758 = arith.addi %shift_right_arithmetic3A_70, %add3A_757 : vector<16xi32>
    %select_n3A_759 = arith.select %lt3A_755, %add3A_758, %shift_right_arithmetic3A_70 : vector<16xi1>, vector<16xi32>
    %broadcast_in_dim3A_760 = vector.shape_cast %select_n3A_759 : vector<16xi32> to vector<16x1xi32>
    %gather3A_761 = vector.shape_cast %broadcast_in_dim3A_760 : vector<16x1xi32> to vector<16xi32>
    %gather3A_762 = tpu.dynamic_gather %select_n3A_749[%gather3A_761] in [0] : vector<16xf32>, vector<16xi32> -> vector<16xf32>
    %lt3A_763 = arith.constant 0 : i32
    %lt3A_764 = vector.broadcast %lt3A_763 : i32 to vector<16xi32>
    %lt3A_765 = arith.cmpi slt, %shift_right_arithmetic3A_70, %lt3A_764 : vector<16xi32>
    %add3A_766 = arith.constant 16 : i32
    %add3A_767 = vector.broadcast %add3A_766 : i32 to vector<16xi32>
    %add3A_768 = arith.addi %shift_right_arithmetic3A_70, %add3A_767 : vector<16xi32>
    %select_n3A_769 = arith.select %lt3A_765, %add3A_768, %shift_right_arithmetic3A_70 : vector<16xi1>, vector<16xi32>
    %broadcast_in_dim3A_770 = vector.shape_cast %select_n3A_769 : vector<16xi32> to vector<16x1xi32>
    %gather3A_771 = vector.shape_cast %broadcast_in_dim3A_770 : vector<16x1xi32> to vector<16xi32>
    %gather3A_772 = tpu.dynamic_gather %sub3A_752[%gather3A_771] in [0] : vector<16xf32>, vector<16xi32> -> vector<16xf32>
    %select_n3A_773 = arith.select %eq3A_75, %gather3A_762, %gather3A_772 : vector<16xi1>, vector<16xf32>
    %add3A_774 = arith.constant 8 : i32
    %add3A_775 = vector.broadcast %add3A_774 : i32 to vector<16xi32>
    %add3A_776 = arith.addi %add3A_775, %shift_right_arithmetic3A_70 : vector<16xi32>
    %lt3A_777 = arith.constant 0 : i32
    %lt3A_778 = vector.broadcast %lt3A_777 : i32 to vector<16xi32>
    %lt3A_779 = arith.cmpi slt, %add3A_776, %lt3A_778 : vector<16xi32>
    %add3A_780 = arith.constant 16 : i32
    %add3A_781 = vector.broadcast %add3A_780 : i32 to vector<16xi32>
    %add3A_782 = arith.addi %add3A_776, %add3A_781 : vector<16xi32>
    %select_n3A_783 = arith.select %lt3A_779, %add3A_782, %add3A_776 : vector<16xi1>, vector<16xi32>
    %broadcast_in_dim3A_784 = vector.shape_cast %select_n3A_783 : vector<16xi32> to vector<16x1xi32>
    %gather3A_785 = vector.shape_cast %broadcast_in_dim3A_784 : vector<16x1xi32> to vector<16xi32>
    %gather3A_786 = tpu.dynamic_gather %select_n3A_749[%gather3A_785] in [0] : vector<16xf32>, vector<16xi32> -> vector<16xf32>
    %add3A_787 = arith.constant 8 : i32
    %add3A_788 = vector.broadcast %add3A_787 : i32 to vector<16xi32>
    %add3A_789 = arith.addi %add3A_788, %shift_right_arithmetic3A_70 : vector<16xi32>
    %lt3A_790 = arith.constant 0 : i32
    %lt3A_791 = vector.broadcast %lt3A_790 : i32 to vector<16xi32>
    %lt3A_792 = arith.cmpi slt, %add3A_789, %lt3A_791 : vector<16xi32>
    %add3A_793 = arith.constant 16 : i32
    %add3A_794 = vector.broadcast %add3A_793 : i32 to vector<16xi32>
    %add3A_795 = arith.addi %add3A_789, %add3A_794 : vector<16xi32>
    %select_n3A_796 = arith.select %lt3A_792, %add3A_795, %add3A_789 : vector<16xi1>, vector<16xi32>
    %broadcast_in_dim3A_797 = vector.shape_cast %select_n3A_796 : vector<16xi32> to vector<16x1xi32>
    %gather3A_798 = vector.shape_cast %broadcast_in_dim3A_797 : vector<16x1xi32> to vector<16xi32>
    %gather3A_799 = tpu.dynamic_gather %sub3A_752[%gather3A_798] in [0] : vector<16xf32>, vector<16xi32> -> vector<16xf32>
    %select_n3A_800 = arith.select %eq3A_75, %gather3A_786, %gather3A_799 : vector<16xi1>, vector<16xf32>
    %swap3A_801 = arith.constant 32 : index
    %swap3A_802 = tpu.vector_load %arg7[%swap3A_801] {strides = array<i32>} : memref<128xf32, #tpu.memory_space<vmem>>, vector<16xf32>,
    %swap3A_803 = vector.shape_cast %swap3A_802 : vector<16xf32> to vector<16xf32>
    %swap3A_804 = vector.shape_cast %select_n3A_773 : vector<16xf32> to vector<16xf32>
    tpu.vector_store %arg7[%swap3A_801], %swap3A_804 {strides = array<i32>} : memref<128xf32, #tpu.memory_space<vmem>>, vector<16xf32>,
    %swap3A_805 = arith.constant 48 : index
    %swap3A_806 = tpu.vector_load %arg7[%swap3A_805] {strides = array<i32>} : memref<128xf32, #tpu.memory_space<vmem>>, vector<16xf32>,
    %swap3A_807 = vector.shape_cast %swap3A_806 : vector<16xf32> to vector<16xf32>
    %swap3A_808 = vector.shape_cast %select_n3A_800 : vector<16xf32> to vector<16xf32>
    tpu.vector_store %arg7[%swap3A_805], %swap3A_808 {strides = array<i32>} : memref<128xf32, #tpu.memory_space<vmem>>, vector<16xf32>,
    %get3A_809 = arith.constant 32 : i32
    %get3A_810 = arith.index_cast %get3A_809 : i32 to index
    %get3A_811 = arith.index_cast %multiple_of3A_65 : i32 to index
    %get3A_812 = tpu.vector_load %arg6[%get3A_810, %get3A_811] {strides = array<i32>} : memref<64x128xf32, #tpu.memory_space<vmem>>, vector<1x16xf32>,
    %get3A_813 = vector.shape_cast %get3A_812 : vector<1x16xf32> to vector<16xf32>
    %lt3A_814 = arith.constant 0 : i32
    %lt3A_815 = vector.broadcast %lt3A_814 : i32 to vector<16xi32>
    %lt3A_816 = arith.cmpi slt, %and3A_68, %lt3A_815 : vector<16xi32>
    %add3A_817 = arith.constant 16 : i32
    %add3A_818 = vector.broadcast %add3A_817 : i32 to vector<16xi32>
    %add3A_819 = arith.addi %and3A_68, %add3A_818 : vector<16xi32>
    %select_n3A_820 = arith.select %lt3A_816, %add3A_819, %and3A_68 : vector<16xi1>, vector<16xi32>
    %broadcast_in_dim3A_821 = vector.shape_cast %select_n3A_820 : vector<16xi32> to vector<16x1xi32>
    %gather3A_822 = vector.shape_cast %broadcast_in_dim3A_821 : vector<16x1xi32> to vector<16xi32>
    %gather3A_823 = tpu.dynamic_gather %get3A_813[%gather3A_822] in [0] : vector<16xf32>, vector<16xi32> -> vector<16xf32>
    %eq3A_824 = arith.constant 0 : i32
    %eq3A_825 = vector.broadcast %eq3A_824 : i32 to vector<16xi32>
    %eq3A_826 = arith.cmpi eq, %iota3A, %eq3A_825 : vector<16xi32>
    %select_n3A_827 = arith.select %eq3A_826, %gather3A_823, %select_n3A_83 : vector<16xi1>, vector<16xf32>
    %get3A_828 = arith.constant 33 : i32
    %get3A_829 = arith.index_cast %get3A_828 : i32 to index
    %get3A_830 = arith.index_cast %multiple_of3A_65 : i32 to index
    %get3A_831 = tpu.vector_load %arg6[%get3A_829, %get3A_830] {strides = array<i32>} : memref<64x128xf32, #tpu.memory_space<vmem>>, vector<1x16xf32>,
    %get3A_832 = vector.shape_cast %get3A_831 : vector<1x16xf32> to vector<16xf32>
    %lt3A_833 = arith.constant 0 : i32
    %lt3A_834 = vector.broadcast %lt3A_833 : i32 to vector<16xi32>
    %lt3A_835 = arith.cmpi slt, %and3A_68, %lt3A_834 : vector<16xi32>
    %add3A_836 = arith.constant 16 : i32
    %add3A_837 = vector.broadcast %add3A_836 : i32 to vector<16xi32>
    %add3A_838 = arith.addi %and3A_68, %add3A_837 : vector<16xi32>
    %select_n3A_839 = arith.select %lt3A_835, %add3A_838, %and3A_68 : vector<16xi1>, vector<16xi32>
    %broadcast_in_dim3A_840 = vector.shape_cast %select_n3A_839 : vector<16xi32> to vector<16x1xi32>
    %gather3A_841 = vector.shape_cast %broadcast_in_dim3A_840 : vector<16x1xi32> to vector<16xi32>
    %gather3A_842 = tpu.dynamic_gather %get3A_832[%gather3A_841] in [0] : vector<16xf32>, vector<16xi32> -> vector<16xf32>
    %eq3A_843 = arith.constant 1 : i32
    %eq3A_844 = vector.broadcast %eq3A_843 : i32 to vector<16xi32>
    %eq3A_845 = arith.cmpi eq, %iota3A, %eq3A_844 : vector<16xi32>
    %select_n3A_846 = arith.select %eq3A_845, %gather3A_842, %select_n3A_827 : vector<16xi1>, vector<16xf32>
    %get3A_847 = arith.constant 34 : i32
    %get3A_848 = arith.index_cast %get3A_847 : i32 to index
    %get3A_849 = arith.index_cast %multiple_of3A_65 : i32 to index
    %get3A_850 = tpu.vector_load %arg6[%get3A_848, %get3A_849] {strides = array<i32>} : memref<64x128xf32, #tpu.memory_space<vmem>>, vector<1x16xf32>,
    %get3A_851 = vector.shape_cast %get3A_850 : vector<1x16xf32> to vector<16xf32>
    %lt3A_852 = arith.constant 0 : i32
    %lt3A_853 = vector.broadcast %lt3A_852 : i32 to vector<16xi32>
    %lt3A_854 = arith.cmpi slt, %and3A_68, %lt3A_853 : vector<16xi32>
    %add3A_855 = arith.constant 16 : i32
    %add3A_856 = vector.broadcast %add3A_855 : i32 to vector<16xi32>
    %add3A_857 = arith.addi %and3A_68, %add3A_856 : vector<16xi32>
    %select_n3A_858 = arith.select %lt3A_854, %add3A_857, %and3A_68 : vector<16xi1>, vector<16xi32>
    %broadcast_in_dim3A_859 = vector.shape_cast %select_n3A_858 : vector<16xi32> to vector<16x1xi32>
    %gather3A_860 = vector.shape_cast %broadcast_in_dim3A_859 : vector<16x1xi32> to vector<16xi32>
    %gather3A_861 = tpu.dynamic_gather %get3A_851[%gather3A_860] in [0] : vector<16xf32>, vector<16xi32> -> vector<16xf32>
    %eq3A_862 = arith.constant 2 : i32
    %eq3A_863 = vector.broadcast %eq3A_862 : i32 to vector<16xi32>
    %eq3A_864 = arith.cmpi eq, %iota3A, %eq3A_863 : vector<16xi32>
    %select_n3A_865 = arith.select %eq3A_864, %gather3A_861, %select_n3A_846 : vector<16xi1>, vector<16xf32>
    %get3A_866 = arith.constant 35 : i32
    %get3A_867 = arith.index_cast %get3A_866 : i32 to index
    %get3A_868 = arith.index_cast %multiple_of3A_65 : i32 to index
    %get3A_869 = tpu.vector_load %arg6[%get3A_867, %get3A_868] {strides = array<i32>} : memref<64x128xf32, #tpu.memory_space<vmem>>, vector<1x16xf32>,
    %get3A_870 = vector.shape_cast %get3A_869 : vector<1x16xf32> to vector<16xf32>
    %lt3A_871 = arith.constant 0 : i32
    %lt3A_872 = vector.broadcast %lt3A_871 : i32 to vector<16xi32>
    %lt3A_873 = arith.cmpi slt, %and3A_68, %lt3A_872 : vector<16xi32>
    %add3A_874 = arith.constant 16 : i32
    %add3A_875 = vector.broadcast %add3A_874 : i32 to vector<16xi32>
    %add3A_876 = arith.addi %and3A_68, %add3A_875 : vector<16xi32>
    %select_n3A_877 = arith.select %lt3A_873, %add3A_876, %and3A_68 : vector<16xi1>, vector<16xi32>
    %broadcast_in_dim3A_878 = vector.shape_cast %select_n3A_877 : vector<16xi32> to vector<16x1xi32>
    %gather3A_879 = vector.shape_cast %broadcast_in_dim3A_878 : vector<16x1xi32> to vector<16xi32>
    %gather3A_880 = tpu.dynamic_gather %get3A_870[%gather3A_879] in [0] : vector<16xf32>, vector<16xi32> -> vector<16xf32>
    %eq3A_881 = arith.constant 3 : i32
    %eq3A_882 = vector.broadcast %eq3A_881 : i32 to vector<16xi32>
    %eq3A_883 = arith.cmpi eq, %iota3A, %eq3A_882 : vector<16xi32>
    %select_n3A_884 = arith.select %eq3A_883, %gather3A_880, %select_n3A_865 : vector<16xi1>, vector<16xf32>
    %get3A_885 = arith.constant 36 : i32
    %get3A_886 = arith.index_cast %get3A_885 : i32 to index
    %get3A_887 = arith.index_cast %multiple_of3A_65 : i32 to index
    %get3A_888 = tpu.vector_load %arg6[%get3A_886, %get3A_887] {strides = array<i32>} : memref<64x128xf32, #tpu.memory_space<vmem>>, vector<1x16xf32>,
    %get3A_889 = vector.shape_cast %get3A_888 : vector<1x16xf32> to vector<16xf32>
    %lt3A_890 = arith.constant 0 : i32
    %lt3A_891 = vector.broadcast %lt3A_890 : i32 to vector<16xi32>
    %lt3A_892 = arith.cmpi slt, %and3A_68, %lt3A_891 : vector<16xi32>
    %add3A_893 = arith.constant 16 : i32
    %add3A_894 = vector.broadcast %add3A_893 : i32 to vector<16xi32>
    %add3A_895 = arith.addi %and3A_68, %add3A_894 : vector<16xi32>
    %select_n3A_896 = arith.select %lt3A_892, %add3A_895, %and3A_68 : vector<16xi1>, vector<16xi32>
    %broadcast_in_dim3A_897 = vector.shape_cast %select_n3A_896 : vector<16xi32> to vector<16x1xi32>
    %gather3A_898 = vector.shape_cast %broadcast_in_dim3A_897 : vector<16x1xi32> to vector<16xi32>
    %gather3A_899 = tpu.dynamic_gather %get3A_889[%gather3A_898] in [0] : vector<16xf32>, vector<16xi32> -> vector<16xf32>
    %eq3A_900 = arith.constant 4 : i32
    %eq3A_901 = vector.broadcast %eq3A_900 : i32 to vector<16xi32>
    %eq3A_902 = arith.cmpi eq, %iota3A, %eq3A_901 : vector<16xi32>
    %select_n3A_903 = arith.select %eq3A_902, %gather3A_899, %select_n3A_884 : vector<16xi1>, vector<16xf32>
    %get3A_904 = arith.constant 37 : i32
    %get3A_905 = arith.index_cast %get3A_904 : i32 to index
    %get3A_906 = arith.index_cast %multiple_of3A_65 : i32 to index
    %get3A_907 = tpu.vector_load %arg6[%get3A_905, %get3A_906] {strides = array<i32>} : memref<64x128xf32, #tpu.memory_space<vmem>>, vector<1x16xf32>,
    %get3A_908 = vector.shape_cast %get3A_907 : vector<1x16xf32> to vector<16xf32>
    %lt3A_909 = arith.constant 0 : i32
    %lt3A_910 = vector.broadcast %lt3A_909 : i32 to vector<16xi32>
    %lt3A_911 = arith.cmpi slt, %and3A_68, %lt3A_910 : vector<16xi32>
    %add3A_912 = arith.constant 16 : i32
    %add3A_913 = vector.broadcast %add3A_912 : i32 to vector<16xi32>
    %add3A_914 = arith.addi %and3A_68, %add3A_913 : vector<16xi32>
    %select_n3A_915 = arith.select %lt3A_911, %add3A_914, %and3A_68 : vector<16xi1>, vector<16xi32>
    %broadcast_in_dim3A_916 = vector.shape_cast %select_n3A_915 : vector<16xi32> to vector<16x1xi32>
    %gather3A_917 = vector.shape_cast %broadcast_in_dim3A_916 : vector<16x1xi32> to vector<16xi32>
    %gather3A_918 = tpu.dynamic_gather %get3A_908[%gather3A_917] in [0] : vector<16xf32>, vector<16xi32> -> vector<16xf32>
    %eq3A_919 = arith.constant 5 : i32
    %eq3A_920 = vector.broadcast %eq3A_919 : i32 to vector<16xi32>
    %eq3A_921 = arith.cmpi eq, %iota3A, %eq3A_920 : vector<16xi32>
    %select_n3A_922 = arith.select %eq3A_921, %gather3A_918, %select_n3A_903 : vector<16xi1>, vector<16xf32>
    %get3A_923 = arith.constant 38 : i32
    %get3A_924 = arith.index_cast %get3A_923 : i32 to index
    %get3A_925 = arith.index_cast %multiple_of3A_65 : i32 to index
    %get3A_926 = tpu.vector_load %arg6[%get3A_924, %get3A_925] {strides = array<i32>} : memref<64x128xf32, #tpu.memory_space<vmem>>, vector<1x16xf32>,
    %get3A_927 = vector.shape_cast %get3A_926 : vector<1x16xf32> to vector<16xf32>
    %lt3A_928 = arith.constant 0 : i32
    %lt3A_929 = vector.broadcast %lt3A_928 : i32 to vector<16xi32>
    %lt3A_930 = arith.cmpi slt, %and3A_68, %lt3A_929 : vector<16xi32>
    %add3A_931 = arith.constant 16 : i32
    %add3A_932 = vector.broadcast %add3A_931 : i32 to vector<16xi32>
    %add3A_933 = arith.addi %and3A_68, %add3A_932 : vector<16xi32>
    %select_n3A_934 = arith.select %lt3A_930, %add3A_933, %and3A_68 : vector<16xi1>, vector<16xi32>
    %broadcast_in_dim3A_935 = vector.shape_cast %select_n3A_934 : vector<16xi32> to vector<16x1xi32>
    %gather3A_936 = vector.shape_cast %broadcast_in_dim3A_935 : vector<16x1xi32> to vector<16xi32>
    %gather3A_937 = tpu.dynamic_gather %get3A_927[%gather3A_936] in [0] : vector<16xf32>, vector<16xi32> -> vector<16xf32>
    %eq3A_938 = arith.constant 6 : i32
    %eq3A_939 = vector.broadcast %eq3A_938 : i32 to vector<16xi32>
    %eq3A_940 = arith.cmpi eq, %iota3A, %eq3A_939 : vector<16xi32>
    %select_n3A_941 = arith.select %eq3A_940, %gather3A_937, %select_n3A_922 : vector<16xi1>, vector<16xf32>
    %get3A_942 = arith.constant 39 : i32
    %get3A_943 = arith.index_cast %get3A_942 : i32 to index
    %get3A_944 = arith.index_cast %multiple_of3A_65 : i32 to index
    %get3A_945 = tpu.vector_load %arg6[%get3A_943, %get3A_944] {strides = array<i32>} : memref<64x128xf32, #tpu.memory_space<vmem>>, vector<1x16xf32>,
    %get3A_946 = vector.shape_cast %get3A_945 : vector<1x16xf32> to vector<16xf32>
    %lt3A_947 = arith.constant 0 : i32
    %lt3A_948 = vector.broadcast %lt3A_947 : i32 to vector<16xi32>
    %lt3A_949 = arith.cmpi slt, %and3A_68, %lt3A_948 : vector<16xi32>
    %add3A_950 = arith.constant 16 : i32
    %add3A_951 = vector.broadcast %add3A_950 : i32 to vector<16xi32>
    %add3A_952 = arith.addi %and3A_68, %add3A_951 : vector<16xi32>
    %select_n3A_953 = arith.select %lt3A_949, %add3A_952, %and3A_68 : vector<16xi1>, vector<16xi32>
    %broadcast_in_dim3A_954 = vector.shape_cast %select_n3A_953 : vector<16xi32> to vector<16x1xi32>
    %gather3A_955 = vector.shape_cast %broadcast_in_dim3A_954 : vector<16x1xi32> to vector<16xi32>
    %gather3A_956 = tpu.dynamic_gather %get3A_946[%gather3A_955] in [0] : vector<16xf32>, vector<16xi32> -> vector<16xf32>
    %eq3A_957 = arith.constant 7 : i32
    %eq3A_958 = vector.broadcast %eq3A_957 : i32 to vector<16xi32>
    %eq3A_959 = arith.cmpi eq, %iota3A, %eq3A_958 : vector<16xi32>
    %select_n3A_960 = arith.select %eq3A_959, %gather3A_956, %select_n3A_941 : vector<16xi1>, vector<16xf32>
    %get3A_961 = arith.constant 40 : i32
    %get3A_962 = arith.index_cast %get3A_961 : i32 to index
    %get3A_963 = arith.index_cast %multiple_of3A_65 : i32 to index
    %get3A_964 = tpu.vector_load %arg6[%get3A_962, %get3A_963] {strides = array<i32>} : memref<64x128xf32, #tpu.memory_space<vmem>>, vector<1x16xf32>,
    %get3A_965 = vector.shape_cast %get3A_964 : vector<1x16xf32> to vector<16xf32>
    %lt3A_966 = arith.constant 0 : i32
    %lt3A_967 = vector.broadcast %lt3A_966 : i32 to vector<16xi32>
    %lt3A_968 = arith.cmpi slt, %and3A_68, %lt3A_967 : vector<16xi32>
    %add3A_969 = arith.constant 16 : i32
    %add3A_970 = vector.broadcast %add3A_969 : i32 to vector<16xi32>
    %add3A_971 = arith.addi %and3A_68, %add3A_970 : vector<16xi32>
    %select_n3A_972 = arith.select %lt3A_968, %add3A_971, %and3A_68 : vector<16xi1>, vector<16xi32>
    %broadcast_in_dim3A_973 = vector.shape_cast %select_n3A_972 : vector<16xi32> to vector<16x1xi32>
    %gather3A_974 = vector.shape_cast %broadcast_in_dim3A_973 : vector<16x1xi32> to vector<16xi32>
    %gather3A_975 = tpu.dynamic_gather %get3A_965[%gather3A_974] in [0] : vector<16xf32>, vector<16xi32> -> vector<16xf32>
    %eq3A_976 = arith.constant 8 : i32
    %eq3A_977 = vector.broadcast %eq3A_976 : i32 to vector<16xi32>
    %eq3A_978 = arith.cmpi eq, %iota3A, %eq3A_977 : vector<16xi32>
    %select_n3A_979 = arith.select %eq3A_978, %gather3A_975, %select_n3A_960 : vector<16xi1>, vector<16xf32>
    %get3A_980 = arith.constant 41 : i32
    %get3A_981 = arith.index_cast %get3A_980 : i32 to index
    %get3A_982 = arith.index_cast %multiple_of3A_65 : i32 to index
    %get3A_983 = tpu.vector_load %arg6[%get3A_981, %get3A_982] {strides = array<i32>} : memref<64x128xf32, #tpu.memory_space<vmem>>, vector<1x16xf32>,
    %get3A_984 = vector.shape_cast %get3A_983 : vector<1x16xf32> to vector<16xf32>
    %lt3A_985 = arith.constant 0 : i32
    %lt3A_986 = vector.broadcast %lt3A_985 : i32 to vector<16xi32>
    %lt3A_987 = arith.cmpi slt, %and3A_68, %lt3A_986 : vector<16xi32>
    %add3A_988 = arith.constant 16 : i32
    %add3A_989 = vector.broadcast %add3A_988 : i32 to vector<16xi32>
    %add3A_990 = arith.addi %and3A_68, %add3A_989 : vector<16xi32>
    %select_n3A_991 = arith.select %lt3A_987, %add3A_990, %and3A_68 : vector<16xi1>, vector<16xi32>
    %broadcast_in_dim3A_992 = vector.shape_cast %select_n3A_991 : vector<16xi32> to vector<16x1xi32>
    %gather3A_993 = vector.shape_cast %broadcast_in_dim3A_992 : vector<16x1xi32> to vector<16xi32>
    %gather3A_994 = tpu.dynamic_gather %get3A_984[%gather3A_993] in [0] : vector<16xf32>, vector<16xi32> -> vector<16xf32>
    %eq3A_995 = arith.constant 9 : i32
    %eq3A_996 = vector.broadcast %eq3A_995 : i32 to vector<16xi32>
    %eq3A_997 = arith.cmpi eq, %iota3A, %eq3A_996 : vector<16xi32>
    %select_n3A_998 = arith.select %eq3A_997, %gather3A_994, %select_n3A_979 : vector<16xi1>, vector<16xf32>
    %get3A_999 = arith.constant 42 : i32
    %get3A_1000 = arith.index_cast %get3A_999 : i32 to index
    %get3A_1001 = arith.index_cast %multiple_of3A_65 : i32 to index
    %get3A_1002 = tpu.vector_load %arg6[%get3A_1000, %get3A_1001] {strides = array<i32>} : memref<64x128xf32, #tpu.memory_space<vmem>>, vector<1x16xf32>,
    %get3A_1003 = vector.shape_cast %get3A_1002 : vector<1x16xf32> to vector<16xf32>
    %lt3A_1004 = arith.constant 0 : i32
    %lt3A_1005 = vector.broadcast %lt3A_1004 : i32 to vector<16xi32>
    %lt3A_1006 = arith.cmpi slt, %and3A_68, %lt3A_1005 : vector<16xi32>
    %add3A_1007 = arith.constant 16 : i32
    %add3A_1008 = vector.broadcast %add3A_1007 : i32 to vector<16xi32>
    %add3A_1009 = arith.addi %and3A_68, %add3A_1008 : vector<16xi32>
    %select_n3A_1010 = arith.select %lt3A_1006, %add3A_1009, %and3A_68 : vector<16xi1>, vector<16xi32>
    %broadcast_in_dim3A_1011 = vector.shape_cast %select_n3A_1010 : vector<16xi32> to vector<16x1xi32>
    %gather3A_1012 = vector.shape_cast %broadcast_in_dim3A_1011 : vector<16x1xi32> to vector<16xi32>
    %gather3A_1013 = tpu.dynamic_gather %get3A_1003[%gather3A_1012] in [0] : vector<16xf32>, vector<16xi32> -> vector<16xf32>
    %eq3A_1014 = arith.constant 10 : i32
    %eq3A_1015 = vector.broadcast %eq3A_1014 : i32 to vector<16xi32>
    %eq3A_1016 = arith.cmpi eq, %iota3A, %eq3A_1015 : vector<16xi32>
    %select_n3A_1017 = arith.select %eq3A_1016, %gather3A_1013, %select_n3A_998 : vector<16xi1>, vector<16xf32>
    %get3A_1018 = arith.constant 43 : i32
    %get3A_1019 = arith.index_cast %get3A_1018 : i32 to index
    %get3A_1020 = arith.index_cast %multiple_of3A_65 : i32 to index
    %get3A_1021 = tpu.vector_load %arg6[%get3A_1019, %get3A_1020] {strides = array<i32>} : memref<64x128xf32, #tpu.memory_space<vmem>>, vector<1x16xf32>,
    %get3A_1022 = vector.shape_cast %get3A_1021 : vector<1x16xf32> to vector<16xf32>
    %lt3A_1023 = arith.constant 0 : i32
    %lt3A_1024 = vector.broadcast %lt3A_1023 : i32 to vector<16xi32>
    %lt3A_1025 = arith.cmpi slt, %and3A_68, %lt3A_1024 : vector<16xi32>
    %add3A_1026 = arith.constant 16 : i32
    %add3A_1027 = vector.broadcast %add3A_1026 : i32 to vector<16xi32>
    %add3A_1028 = arith.addi %and3A_68, %add3A_1027 : vector<16xi32>
    %select_n3A_1029 = arith.select %lt3A_1025, %add3A_1028, %and3A_68 : vector<16xi1>, vector<16xi32>
    %broadcast_in_dim3A_1030 = vector.shape_cast %select_n3A_1029 : vector<16xi32> to vector<16x1xi32>
    %gather3A_1031 = vector.shape_cast %broadcast_in_dim3A_1030 : vector<16x1xi32> to vector<16xi32>
    %gather3A_1032 = tpu.dynamic_gather %get3A_1022[%gather3A_1031] in [0] : vector<16xf32>, vector<16xi32> -> vector<16xf32>
    %eq3A_1033 = arith.constant 11 : i32
    %eq3A_1034 = vector.broadcast %eq3A_1033 : i32 to vector<16xi32>
    %eq3A_1035 = arith.cmpi eq, %iota3A, %eq3A_1034 : vector<16xi32>
    %select_n3A_1036 = arith.select %eq3A_1035, %gather3A_1032, %select_n3A_1017 : vector<16xi1>, vector<16xf32>
    %get3A_1037 = arith.constant 44 : i32
    %get3A_1038 = arith.index_cast %get3A_1037 : i32 to index
    %get3A_1039 = arith.index_cast %multiple_of3A_65 : i32 to index
    %get3A_1040 = tpu.vector_load %arg6[%get3A_1038, %get3A_1039] {strides = array<i32>} : memref<64x128xf32, #tpu.memory_space<vmem>>, vector<1x16xf32>,
    %get3A_1041 = vector.shape_cast %get3A_1040 : vector<1x16xf32> to vector<16xf32>
    %lt3A_1042 = arith.constant 0 : i32
    %lt3A_1043 = vector.broadcast %lt3A_1042 : i32 to vector<16xi32>
    %lt3A_1044 = arith.cmpi slt, %and3A_68, %lt3A_1043 : vector<16xi32>
    %add3A_1045 = arith.constant 16 : i32
    %add3A_1046 = vector.broadcast %add3A_1045 : i32 to vector<16xi32>
    %add3A_1047 = arith.addi %and3A_68, %add3A_1046 : vector<16xi32>
    %select_n3A_1048 = arith.select %lt3A_1044, %add3A_1047, %and3A_68 : vector<16xi1>, vector<16xi32>
    %broadcast_in_dim3A_1049 = vector.shape_cast %select_n3A_1048 : vector<16xi32> to vector<16x1xi32>
    %gather3A_1050 = vector.shape_cast %broadcast_in_dim3A_1049 : vector<16x1xi32> to vector<16xi32>
    %gather3A_1051 = tpu.dynamic_gather %get3A_1041[%gather3A_1050] in [0] : vector<16xf32>, vector<16xi32> -> vector<16xf32>
    %eq3A_1052 = arith.constant 12 : i32
    %eq3A_1053 = vector.broadcast %eq3A_1052 : i32 to vector<16xi32>
    %eq3A_1054 = arith.cmpi eq, %iota3A, %eq3A_1053 : vector<16xi32>
    %select_n3A_1055 = arith.select %eq3A_1054, %gather3A_1051, %select_n3A_1036 : vector<16xi1>, vector<16xf32>
    %get3A_1056 = arith.constant 45 : i32
    %get3A_1057 = arith.index_cast %get3A_1056 : i32 to index
    %get3A_1058 = arith.index_cast %multiple_of3A_65 : i32 to index
    %get3A_1059 = tpu.vector_load %arg6[%get3A_1057, %get3A_1058] {strides = array<i32>} : memref<64x128xf32, #tpu.memory_space<vmem>>, vector<1x16xf32>,
    %get3A_1060 = vector.shape_cast %get3A_1059 : vector<1x16xf32> to vector<16xf32>
    %lt3A_1061 = arith.constant 0 : i32
    %lt3A_1062 = vector.broadcast %lt3A_1061 : i32 to vector<16xi32>
    %lt3A_1063 = arith.cmpi slt, %and3A_68, %lt3A_1062 : vector<16xi32>
    %add3A_1064 = arith.constant 16 : i32
    %add3A_1065 = vector.broadcast %add3A_1064 : i32 to vector<16xi32>
    %add3A_1066 = arith.addi %and3A_68, %add3A_1065 : vector<16xi32>
    %select_n3A_1067 = arith.select %lt3A_1063, %add3A_1066, %and3A_68 : vector<16xi1>, vector<16xi32>
    %broadcast_in_dim3A_1068 = vector.shape_cast %select_n3A_1067 : vector<16xi32> to vector<16x1xi32>
    %gather3A_1069 = vector.shape_cast %broadcast_in_dim3A_1068 : vector<16x1xi32> to vector<16xi32>
    %gather3A_1070 = tpu.dynamic_gather %get3A_1060[%gather3A_1069] in [0] : vector<16xf32>, vector<16xi32> -> vector<16xf32>
    %eq3A_1071 = arith.constant 13 : i32
    %eq3A_1072 = vector.broadcast %eq3A_1071 : i32 to vector<16xi32>
    %eq3A_1073 = arith.cmpi eq, %iota3A, %eq3A_1072 : vector<16xi32>
    %select_n3A_1074 = arith.select %eq3A_1073, %gather3A_1070, %select_n3A_1055 : vector<16xi1>, vector<16xf32>
    %get3A_1075 = arith.constant 46 : i32
    %get3A_1076 = arith.index_cast %get3A_1075 : i32 to index
    %get3A_1077 = arith.index_cast %multiple_of3A_65 : i32 to index
    %get3A_1078 = tpu.vector_load %arg6[%get3A_1076, %get3A_1077] {strides = array<i32>} : memref<64x128xf32, #tpu.memory_space<vmem>>, vector<1x16xf32>,
    %get3A_1079 = vector.shape_cast %get3A_1078 : vector<1x16xf32> to vector<16xf32>
    %lt3A_1080 = arith.constant 0 : i32
    %lt3A_1081 = vector.broadcast %lt3A_1080 : i32 to vector<16xi32>
    %lt3A_1082 = arith.cmpi slt, %and3A_68, %lt3A_1081 : vector<16xi32>
    %add3A_1083 = arith.constant 16 : i32
    %add3A_1084 = vector.broadcast %add3A_1083 : i32 to vector<16xi32>
    %add3A_1085 = arith.addi %and3A_68, %add3A_1084 : vector<16xi32>
    %select_n3A_1086 = arith.select %lt3A_1082, %add3A_1085, %and3A_68 : vector<16xi1>, vector<16xi32>
    %broadcast_in_dim3A_1087 = vector.shape_cast %select_n3A_1086 : vector<16xi32> to vector<16x1xi32>
    %gather3A_1088 = vector.shape_cast %broadcast_in_dim3A_1087 : vector<16x1xi32> to vector<16xi32>
    %gather3A_1089 = tpu.dynamic_gather %get3A_1079[%gather3A_1088] in [0] : vector<16xf32>, vector<16xi32> -> vector<16xf32>
    %eq3A_1090 = arith.constant 14 : i32
    %eq3A_1091 = vector.broadcast %eq3A_1090 : i32 to vector<16xi32>
    %eq3A_1092 = arith.cmpi eq, %iota3A, %eq3A_1091 : vector<16xi32>
    %select_n3A_1093 = arith.select %eq3A_1092, %gather3A_1089, %select_n3A_1074 : vector<16xi1>, vector<16xf32>
    %get3A_1094 = arith.constant 47 : i32
    %get3A_1095 = arith.index_cast %get3A_1094 : i32 to index
    %get3A_1096 = arith.index_cast %multiple_of3A_65 : i32 to index
    %get3A_1097 = tpu.vector_load %arg6[%get3A_1095, %get3A_1096] {strides = array<i32>} : memref<64x128xf32, #tpu.memory_space<vmem>>, vector<1x16xf32>,
    %get3A_1098 = vector.shape_cast %get3A_1097 : vector<1x16xf32> to vector<16xf32>
    %lt3A_1099 = arith.constant 0 : i32
    %lt3A_1100 = vector.broadcast %lt3A_1099 : i32 to vector<16xi32>
    %lt3A_1101 = arith.cmpi slt, %and3A_68, %lt3A_1100 : vector<16xi32>
    %add3A_1102 = arith.constant 16 : i32
    %add3A_1103 = vector.broadcast %add3A_1102 : i32 to vector<16xi32>
    %add3A_1104 = arith.addi %and3A_68, %add3A_1103 : vector<16xi32>
    %select_n3A_1105 = arith.select %lt3A_1101, %add3A_1104, %and3A_68 : vector<16xi1>, vector<16xi32>
    %broadcast_in_dim3A_1106 = vector.shape_cast %select_n3A_1105 : vector<16xi32> to vector<16x1xi32>
    %gather3A_1107 = vector.shape_cast %broadcast_in_dim3A_1106 : vector<16x1xi32> to vector<16xi32>
    %gather3A_1108 = tpu.dynamic_gather %get3A_1098[%gather3A_1107] in [0] : vector<16xf32>, vector<16xi32> -> vector<16xf32>
    %eq3A_1109 = arith.constant 15 : i32
    %eq3A_1110 = vector.broadcast %eq3A_1109 : i32 to vector<16xi32>
    %eq3A_1111 = arith.cmpi eq, %iota3A, %eq3A_1110 : vector<16xi32>
    %select_n3A_1112 = arith.select %eq3A_1111, %gather3A_1108, %select_n3A_1093 : vector<16xi1>, vector<16xf32>
    %sub3A_1113 = arith.constant 1.000000e+00 : f32
    %sub3A_1114 = vector.broadcast %sub3A_1113 : f32 to vector<16xf32>
    %sub3A_1115 = arith.subf %sub3A_1114, %select_n3A_1112 : vector<16xf32>
    %lt3A_1116 = arith.constant 0 : i32
    %lt3A_1117 = vector.broadcast %lt3A_1116 : i32 to vector<16xi32>
    %lt3A_1118 = arith.cmpi slt, %shift_right_arithmetic3A_70, %lt3A_1117 : vector<16xi32>
    %add3A_1119 = arith.constant 16 : i32
    %add3A_1120 = vector.broadcast %add3A_1119 : i32 to vector<16xi32>
    %add3A_1121 = arith.addi %shift_right_arithmetic3A_70, %add3A_1120 : vector<16xi32>
    %select_n3A_1122 = arith.select %lt3A_1118, %add3A_1121, %shift_right_arithmetic3A_70 : vector<16xi1>, vector<16xi32>
    %broadcast_in_dim3A_1123 = vector.shape_cast %select_n3A_1122 : vector<16xi32> to vector<16x1xi32>
    %gather3A_1124 = vector.shape_cast %broadcast_in_dim3A_1123 : vector<16x1xi32> to vector<16xi32>
    %gather3A_1125 = tpu.dynamic_gather %select_n3A_1112[%gather3A_1124] in [0] : vector<16xf32>, vector<16xi32> -> vector<16xf32>
    %lt3A_1126 = arith.constant 0 : i32
    %lt3A_1127 = vector.broadcast %lt3A_1126 : i32 to vector<16xi32>
    %lt3A_1128 = arith.cmpi slt, %shift_right_arithmetic3A_70, %lt3A_1127 : vector<16xi32>
    %add3A_1129 = arith.constant 16 : i32
    %add3A_1130 = vector.broadcast %add3A_1129 : i32 to vector<16xi32>
    %add3A_1131 = arith.addi %shift_right_arithmetic3A_70, %add3A_1130 : vector<16xi32>
    %select_n3A_1132 = arith.select %lt3A_1128, %add3A_1131, %shift_right_arithmetic3A_70 : vector<16xi1>, vector<16xi32>
    %broadcast_in_dim3A_1133 = vector.shape_cast %select_n3A_1132 : vector<16xi32> to vector<16x1xi32>
    %gather3A_1134 = vector.shape_cast %broadcast_in_dim3A_1133 : vector<16x1xi32> to vector<16xi32>
    %gather3A_1135 = tpu.dynamic_gather %sub3A_1115[%gather3A_1134] in [0] : vector<16xf32>, vector<16xi32> -> vector<16xf32>
    %select_n3A_1136 = arith.select %eq3A_75, %gather3A_1125, %gather3A_1135 : vector<16xi1>, vector<16xf32>
    %add3A_1137 = arith.constant 8 : i32
    %add3A_1138 = vector.broadcast %add3A_1137 : i32 to vector<16xi32>
    %add3A_1139 = arith.addi %add3A_1138, %shift_right_arithmetic3A_70 : vector<16xi32>
    %lt3A_1140 = arith.constant 0 : i32
    %lt3A_1141 = vector.broadcast %lt3A_1140 : i32 to vector<16xi32>
    %lt3A_1142 = arith.cmpi slt, %add3A_1139, %lt3A_1141 : vector<16xi32>
    %add3A_1143 = arith.constant 16 : i32
    %add3A_1144 = vector.broadcast %add3A_1143 : i32 to vector<16xi32>
    %add3A_1145 = arith.addi %add3A_1139, %add3A_1144 : vector<16xi32>
    %select_n3A_1146 = arith.select %lt3A_1142, %add3A_1145, %add3A_1139 : vector<16xi1>, vector<16xi32>
    %broadcast_in_dim3A_1147 = vector.shape_cast %select_n3A_1146 : vector<16xi32> to vector<16x1xi32>
    %gather3A_1148 = vector.shape_cast %broadcast_in_dim3A_1147 : vector<16x1xi32> to vector<16xi32>
    %gather3A_1149 = tpu.dynamic_gather %select_n3A_1112[%gather3A_1148] in [0] : vector<16xf32>, vector<16xi32> -> vector<16xf32>
    %add3A_1150 = arith.constant 8 : i32
    %add3A_1151 = vector.broadcast %add3A_1150 : i32 to vector<16xi32>
    %add3A_1152 = arith.addi %add3A_1151, %shift_right_arithmetic3A_70 : vector<16xi32>
    %lt3A_1153 = arith.constant 0 : i32
    %lt3A_1154 = vector.broadcast %lt3A_1153 : i32 to vector<16xi32>
    %lt3A_1155 = arith.cmpi slt, %add3A_1152, %lt3A_1154 : vector<16xi32>
    %add3A_1156 = arith.constant 16 : i32
    %add3A_1157 = vector.broadcast %add3A_1156 : i32 to vector<16xi32>
    %add3A_1158 = arith.addi %add3A_1152, %add3A_1157 : vector<16xi32>
    %select_n3A_1159 = arith.select %lt3A_1155, %add3A_1158, %add3A_1152 : vector<16xi1>, vector<16xi32>
    %broadcast_in_dim3A_1160 = vector.shape_cast %select_n3A_1159 : vector<16xi32> to vector<16x1xi32>
    %gather3A_1161 = vector.shape_cast %broadcast_in_dim3A_1160 : vector<16x1xi32> to vector<16xi32>
    %gather3A_1162 = tpu.dynamic_gather %sub3A_1115[%gather3A_1161] in [0] : vector<16xf32>, vector<16xi32> -> vector<16xf32>
    %select_n3A_1163 = arith.select %eq3A_75, %gather3A_1149, %gather3A_1162 : vector<16xi1>, vector<16xf32>
    %swap3A_1164 = arith.constant 64 : index
    %swap3A_1165 = tpu.vector_load %arg7[%swap3A_1164] {strides = array<i32>} : memref<128xf32, #tpu.memory_space<vmem>>, vector<16xf32>,
    %swap3A_1166 = vector.shape_cast %swap3A_1165 : vector<16xf32> to vector<16xf32>
    %swap3A_1167 = vector.shape_cast %select_n3A_1136 : vector<16xf32> to vector<16xf32>
    tpu.vector_store %arg7[%swap3A_1164], %swap3A_1167 {strides = array<i32>} : memref<128xf32, #tpu.memory_space<vmem>>, vector<16xf32>,
    %swap3A_1168 = arith.constant 80 : index
    %swap3A_1169 = tpu.vector_load %arg7[%swap3A_1168] {strides = array<i32>} : memref<128xf32, #tpu.memory_space<vmem>>, vector<16xf32>,
    %swap3A_1170 = vector.shape_cast %swap3A_1169 : vector<16xf32> to vector<16xf32>
    %swap3A_1171 = vector.shape_cast %select_n3A_1163 : vector<16xf32> to vector<16xf32>
    tpu.vector_store %arg7[%swap3A_1168], %swap3A_1171 {strides = array<i32>} : memref<128xf32, #tpu.memory_space<vmem>>, vector<16xf32>,
    %get3A_1172 = arith.constant 48 : i32
    %get3A_1173 = arith.index_cast %get3A_1172 : i32 to index
    %get3A_1174 = arith.index_cast %multiple_of3A_65 : i32 to index
    %get3A_1175 = tpu.vector_load %arg6[%get3A_1173, %get3A_1174] {strides = array<i32>} : memref<64x128xf32, #tpu.memory_space<vmem>>, vector<1x16xf32>,
    %get3A_1176 = vector.shape_cast %get3A_1175 : vector<1x16xf32> to vector<16xf32>
    %lt3A_1177 = arith.constant 0 : i32
    %lt3A_1178 = vector.broadcast %lt3A_1177 : i32 to vector<16xi32>
    %lt3A_1179 = arith.cmpi slt, %and3A_68, %lt3A_1178 : vector<16xi32>
    %add3A_1180 = arith.constant 16 : i32
    %add3A_1181 = vector.broadcast %add3A_1180 : i32 to vector<16xi32>
    %add3A_1182 = arith.addi %and3A_68, %add3A_1181 : vector<16xi32>
    %select_n3A_1183 = arith.select %lt3A_1179, %add3A_1182, %and3A_68 : vector<16xi1>, vector<16xi32>
    %broadcast_in_dim3A_1184 = vector.shape_cast %select_n3A_1183 : vector<16xi32> to vector<16x1xi32>
    %gather3A_1185 = vector.shape_cast %broadcast_in_dim3A_1184 : vector<16x1xi32> to vector<16xi32>
    %gather3A_1186 = tpu.dynamic_gather %get3A_1176[%gather3A_1185] in [0] : vector<16xf32>, vector<16xi32> -> vector<16xf32>
    %eq3A_1187 = arith.constant 0 : i32
    %eq3A_1188 = vector.broadcast %eq3A_1187 : i32 to vector<16xi32>
    %eq3A_1189 = arith.cmpi eq, %iota3A, %eq3A_1188 : vector<16xi32>
    %select_n3A_1190 = arith.select %eq3A_1189, %gather3A_1186, %select_n3A_83 : vector<16xi1>, vector<16xf32>
    %get3A_1191 = arith.constant 49 : i32
    %get3A_1192 = arith.index_cast %get3A_1191 : i32 to index
    %get3A_1193 = arith.index_cast %multiple_of3A_65 : i32 to index
    %get3A_1194 = tpu.vector_load %arg6[%get3A_1192, %get3A_1193] {strides = array<i32>} : memref<64x128xf32, #tpu.memory_space<vmem>>, vector<1x16xf32>,
    %get3A_1195 = vector.shape_cast %get3A_1194 : vector<1x16xf32> to vector<16xf32>
    %lt3A_1196 = arith.constant 0 : i32
    %lt3A_1197 = vector.broadcast %lt3A_1196 : i32 to vector<16xi32>
    %lt3A_1198 = arith.cmpi slt, %and3A_68, %lt3A_1197 : vector<16xi32>
    %add3A_1199 = arith.constant 16 : i32
    %add3A_1200 = vector.broadcast %add3A_1199 : i32 to vector<16xi32>
    %add3A_1201 = arith.addi %and3A_68, %add3A_1200 : vector<16xi32>
    %select_n3A_1202 = arith.select %lt3A_1198, %add3A_1201, %and3A_68 : vector<16xi1>, vector<16xi32>
    %broadcast_in_dim3A_1203 = vector.shape_cast %select_n3A_1202 : vector<16xi32> to vector<16x1xi32>
    %gather3A_1204 = vector.shape_cast %broadcast_in_dim3A_1203 : vector<16x1xi32> to vector<16xi32>
    %gather3A_1205 = tpu.dynamic_gather %get3A_1195[%gather3A_1204] in [0] : vector<16xf32>, vector<16xi32> -> vector<16xf32>
    %eq3A_1206 = arith.constant 1 : i32
    %eq3A_1207 = vector.broadcast %eq3A_1206 : i32 to vector<16xi32>
    %eq3A_1208 = arith.cmpi eq, %iota3A, %eq3A_1207 : vector<16xi32>
    %select_n3A_1209 = arith.select %eq3A_1208, %gather3A_1205, %select_n3A_1190 : vector<16xi1>, vector<16xf32>
    %get3A_1210 = arith.constant 50 : i32
    %get3A_1211 = arith.index_cast %get3A_1210 : i32 to index
    %get3A_1212 = arith.index_cast %multiple_of3A_65 : i32 to index
    %get3A_1213 = tpu.vector_load %arg6[%get3A_1211, %get3A_1212] {strides = array<i32>} : memref<64x128xf32, #tpu.memory_space<vmem>>, vector<1x16xf32>,
    %get3A_1214 = vector.shape_cast %get3A_1213 : vector<1x16xf32> to vector<16xf32>
    %lt3A_1215 = arith.constant 0 : i32
    %lt3A_1216 = vector.broadcast %lt3A_1215 : i32 to vector<16xi32>
    %lt3A_1217 = arith.cmpi slt, %and3A_68, %lt3A_1216 : vector<16xi32>
    %add3A_1218 = arith.constant 16 : i32
    %add3A_1219 = vector.broadcast %add3A_1218 : i32 to vector<16xi32>
    %add3A_1220 = arith.addi %and3A_68, %add3A_1219 : vector<16xi32>
    %select_n3A_1221 = arith.select %lt3A_1217, %add3A_1220, %and3A_68 : vector<16xi1>, vector<16xi32>
    %broadcast_in_dim3A_1222 = vector.shape_cast %select_n3A_1221 : vector<16xi32> to vector<16x1xi32>
    %gather3A_1223 = vector.shape_cast %broadcast_in_dim3A_1222 : vector<16x1xi32> to vector<16xi32>
    %gather3A_1224 = tpu.dynamic_gather %get3A_1214[%gather3A_1223] in [0] : vector<16xf32>, vector<16xi32> -> vector<16xf32>
    %eq3A_1225 = arith.constant 2 : i32
    %eq3A_1226 = vector.broadcast %eq3A_1225 : i32 to vector<16xi32>
    %eq3A_1227 = arith.cmpi eq, %iota3A, %eq3A_1226 : vector<16xi32>
    %select_n3A_1228 = arith.select %eq3A_1227, %gather3A_1224, %select_n3A_1209 : vector<16xi1>, vector<16xf32>
    %get3A_1229 = arith.constant 51 : i32
    %get3A_1230 = arith.index_cast %get3A_1229 : i32 to index
    %get3A_1231 = arith.index_cast %multiple_of3A_65 : i32 to index
    %get3A_1232 = tpu.vector_load %arg6[%get3A_1230, %get3A_1231] {strides = array<i32>} : memref<64x128xf32, #tpu.memory_space<vmem>>, vector<1x16xf32>,
    %get3A_1233 = vector.shape_cast %get3A_1232 : vector<1x16xf32> to vector<16xf32>
    %lt3A_1234 = arith.constant 0 : i32
    %lt3A_1235 = vector.broadcast %lt3A_1234 : i32 to vector<16xi32>
    %lt3A_1236 = arith.cmpi slt, %and3A_68, %lt3A_1235 : vector<16xi32>
    %add3A_1237 = arith.constant 16 : i32
    %add3A_1238 = vector.broadcast %add3A_1237 : i32 to vector<16xi32>
    %add3A_1239 = arith.addi %and3A_68, %add3A_1238 : vector<16xi32>
    %select_n3A_1240 = arith.select %lt3A_1236, %add3A_1239, %and3A_68 : vector<16xi1>, vector<16xi32>
    %broadcast_in_dim3A_1241 = vector.shape_cast %select_n3A_1240 : vector<16xi32> to vector<16x1xi32>
    %gather3A_1242 = vector.shape_cast %broadcast_in_dim3A_1241 : vector<16x1xi32> to vector<16xi32>
    %gather3A_1243 = tpu.dynamic_gather %get3A_1233[%gather3A_1242] in [0] : vector<16xf32>, vector<16xi32> -> vector<16xf32>
    %eq3A_1244 = arith.constant 3 : i32
    %eq3A_1245 = vector.broadcast %eq3A_1244 : i32 to vector<16xi32>
    %eq3A_1246 = arith.cmpi eq, %iota3A, %eq3A_1245 : vector<16xi32>
    %select_n3A_1247 = arith.select %eq3A_1246, %gather3A_1243, %select_n3A_1228 : vector<16xi1>, vector<16xf32>
    %get3A_1248 = arith.constant 52 : i32
    %get3A_1249 = arith.index_cast %get3A_1248 : i32 to index
    %get3A_1250 = arith.index_cast %multiple_of3A_65 : i32 to index
    %get3A_1251 = tpu.vector_load %arg6[%get3A_1249, %get3A_1250] {strides = array<i32>} : memref<64x128xf32, #tpu.memory_space<vmem>>, vector<1x16xf32>,
    %get3A_1252 = vector.shape_cast %get3A_1251 : vector<1x16xf32> to vector<16xf32>
    %lt3A_1253 = arith.constant 0 : i32
    %lt3A_1254 = vector.broadcast %lt3A_1253 : i32 to vector<16xi32>
    %lt3A_1255 = arith.cmpi slt, %and3A_68, %lt3A_1254 : vector<16xi32>
    %add3A_1256 = arith.constant 16 : i32
    %add3A_1257 = vector.broadcast %add3A_1256 : i32 to vector<16xi32>
    %add3A_1258 = arith.addi %and3A_68, %add3A_1257 : vector<16xi32>
    %select_n3A_1259 = arith.select %lt3A_1255, %add3A_1258, %and3A_68 : vector<16xi1>, vector<16xi32>
    %broadcast_in_dim3A_1260 = vector.shape_cast %select_n3A_1259 : vector<16xi32> to vector<16x1xi32>
    %gather3A_1261 = vector.shape_cast %broadcast_in_dim3A_1260 : vector<16x1xi32> to vector<16xi32>
    %gather3A_1262 = tpu.dynamic_gather %get3A_1252[%gather3A_1261] in [0] : vector<16xf32>, vector<16xi32> -> vector<16xf32>
    %eq3A_1263 = arith.constant 4 : i32
    %eq3A_1264 = vector.broadcast %eq3A_1263 : i32 to vector<16xi32>
    %eq3A_1265 = arith.cmpi eq, %iota3A, %eq3A_1264 : vector<16xi32>
    %select_n3A_1266 = arith.select %eq3A_1265, %gather3A_1262, %select_n3A_1247 : vector<16xi1>, vector<16xf32>
    %get3A_1267 = arith.constant 53 : i32
    %get3A_1268 = arith.index_cast %get3A_1267 : i32 to index
    %get3A_1269 = arith.index_cast %multiple_of3A_65 : i32 to index
    %get3A_1270 = tpu.vector_load %arg6[%get3A_1268, %get3A_1269] {strides = array<i32>} : memref<64x128xf32, #tpu.memory_space<vmem>>, vector<1x16xf32>,
    %get3A_1271 = vector.shape_cast %get3A_1270 : vector<1x16xf32> to vector<16xf32>
    %lt3A_1272 = arith.constant 0 : i32
    %lt3A_1273 = vector.broadcast %lt3A_1272 : i32 to vector<16xi32>
    %lt3A_1274 = arith.cmpi slt, %and3A_68, %lt3A_1273 : vector<16xi32>
    %add3A_1275 = arith.constant 16 : i32
    %add3A_1276 = vector.broadcast %add3A_1275 : i32 to vector<16xi32>
    %add3A_1277 = arith.addi %and3A_68, %add3A_1276 : vector<16xi32>
    %select_n3A_1278 = arith.select %lt3A_1274, %add3A_1277, %and3A_68 : vector<16xi1>, vector<16xi32>
    %broadcast_in_dim3A_1279 = vector.shape_cast %select_n3A_1278 : vector<16xi32> to vector<16x1xi32>
    %gather3A_1280 = vector.shape_cast %broadcast_in_dim3A_1279 : vector<16x1xi32> to vector<16xi32>
    %gather3A_1281 = tpu.dynamic_gather %get3A_1271[%gather3A_1280] in [0] : vector<16xf32>, vector<16xi32> -> vector<16xf32>
    %eq3A_1282 = arith.constant 5 : i32
    %eq3A_1283 = vector.broadcast %eq3A_1282 : i32 to vector<16xi32>
    %eq3A_1284 = arith.cmpi eq, %iota3A, %eq3A_1283 : vector<16xi32>
    %select_n3A_1285 = arith.select %eq3A_1284, %gather3A_1281, %select_n3A_1266 : vector<16xi1>, vector<16xf32>
    %get3A_1286 = arith.constant 54 : i32
    %get3A_1287 = arith.index_cast %get3A_1286 : i32 to index
    %get3A_1288 = arith.index_cast %multiple_of3A_65 : i32 to index
    %get3A_1289 = tpu.vector_load %arg6[%get3A_1287, %get3A_1288] {strides = array<i32>} : memref<64x128xf32, #tpu.memory_space<vmem>>, vector<1x16xf32>,
    %get3A_1290 = vector.shape_cast %get3A_1289 : vector<1x16xf32> to vector<16xf32>
    %lt3A_1291 = arith.constant 0 : i32
    %lt3A_1292 = vector.broadcast %lt3A_1291 : i32 to vector<16xi32>
    %lt3A_1293 = arith.cmpi slt, %and3A_68, %lt3A_1292 : vector<16xi32>
    %add3A_1294 = arith.constant 16 : i32
    %add3A_1295 = vector.broadcast %add3A_1294 : i32 to vector<16xi32>
    %add3A_1296 = arith.addi %and3A_68, %add3A_1295 : vector<16xi32>
    %select_n3A_1297 = arith.select %lt3A_1293, %add3A_1296, %and3A_68 : vector<16xi1>, vector<16xi32>
    %broadcast_in_dim3A_1298 = vector.shape_cast %select_n3A_1297 : vector<16xi32> to vector<16x1xi32>
    %gather3A_1299 = vector.shape_cast %broadcast_in_dim3A_1298 : vector<16x1xi32> to vector<16xi32>
    %gather3A_1300 = tpu.dynamic_gather %get3A_1290[%gather3A_1299] in [0] : vector<16xf32>, vector<16xi32> -> vector<16xf32>
    %eq3A_1301 = arith.constant 6 : i32
    %eq3A_1302 = vector.broadcast %eq3A_1301 : i32 to vector<16xi32>
    %eq3A_1303 = arith.cmpi eq, %iota3A, %eq3A_1302 : vector<16xi32>
    %select_n3A_1304 = arith.select %eq3A_1303, %gather3A_1300, %select_n3A_1285 : vector<16xi1>, vector<16xf32>
    %get3A_1305 = arith.constant 55 : i32
    %get3A_1306 = arith.index_cast %get3A_1305 : i32 to index
    %get3A_1307 = arith.index_cast %multiple_of3A_65 : i32 to index
    %get3A_1308 = tpu.vector_load %arg6[%get3A_1306, %get3A_1307] {strides = array<i32>} : memref<64x128xf32, #tpu.memory_space<vmem>>, vector<1x16xf32>,
    %get3A_1309 = vector.shape_cast %get3A_1308 : vector<1x16xf32> to vector<16xf32>
    %lt3A_1310 = arith.constant 0 : i32
    %lt3A_1311 = vector.broadcast %lt3A_1310 : i32 to vector<16xi32>
    %lt3A_1312 = arith.cmpi slt, %and3A_68, %lt3A_1311 : vector<16xi32>
    %add3A_1313 = arith.constant 16 : i32
    %add3A_1314 = vector.broadcast %add3A_1313 : i32 to vector<16xi32>
    %add3A_1315 = arith.addi %and3A_68, %add3A_1314 : vector<16xi32>
    %select_n3A_1316 = arith.select %lt3A_1312, %add3A_1315, %and3A_68 : vector<16xi1>, vector<16xi32>
    %broadcast_in_dim3A_1317 = vector.shape_cast %select_n3A_1316 : vector<16xi32> to vector<16x1xi32>
    %gather3A_1318 = vector.shape_cast %broadcast_in_dim3A_1317 : vector<16x1xi32> to vector<16xi32>
    %gather3A_1319 = tpu.dynamic_gather %get3A_1309[%gather3A_1318] in [0] : vector<16xf32>, vector<16xi32> -> vector<16xf32>
    %eq3A_1320 = arith.constant 7 : i32
    %eq3A_1321 = vector.broadcast %eq3A_1320 : i32 to vector<16xi32>
    %eq3A_1322 = arith.cmpi eq, %iota3A, %eq3A_1321 : vector<16xi32>
    %select_n3A_1323 = arith.select %eq3A_1322, %gather3A_1319, %select_n3A_1304 : vector<16xi1>, vector<16xf32>
    %get3A_1324 = arith.constant 56 : i32
    %get3A_1325 = arith.index_cast %get3A_1324 : i32 to index
    %get3A_1326 = arith.index_cast %multiple_of3A_65 : i32 to index
    %get3A_1327 = tpu.vector_load %arg6[%get3A_1325, %get3A_1326] {strides = array<i32>} : memref<64x128xf32, #tpu.memory_space<vmem>>, vector<1x16xf32>,
    %get3A_1328 = vector.shape_cast %get3A_1327 : vector<1x16xf32> to vector<16xf32>
    %lt3A_1329 = arith.constant 0 : i32
    %lt3A_1330 = vector.broadcast %lt3A_1329 : i32 to vector<16xi32>
    %lt3A_1331 = arith.cmpi slt, %and3A_68, %lt3A_1330 : vector<16xi32>
    %add3A_1332 = arith.constant 16 : i32
    %add3A_1333 = vector.broadcast %add3A_1332 : i32 to vector<16xi32>
    %add3A_1334 = arith.addi %and3A_68, %add3A_1333 : vector<16xi32>
    %select_n3A_1335 = arith.select %lt3A_1331, %add3A_1334, %and3A_68 : vector<16xi1>, vector<16xi32>
    %broadcast_in_dim3A_1336 = vector.shape_cast %select_n3A_1335 : vector<16xi32> to vector<16x1xi32>
    %gather3A_1337 = vector.shape_cast %broadcast_in_dim3A_1336 : vector<16x1xi32> to vector<16xi32>
    %gather3A_1338 = tpu.dynamic_gather %get3A_1328[%gather3A_1337] in [0] : vector<16xf32>, vector<16xi32> -> vector<16xf32>
    %eq3A_1339 = arith.constant 8 : i32
    %eq3A_1340 = vector.broadcast %eq3A_1339 : i32 to vector<16xi32>
    %eq3A_1341 = arith.cmpi eq, %iota3A, %eq3A_1340 : vector<16xi32>
    %select_n3A_1342 = arith.select %eq3A_1341, %gather3A_1338, %select_n3A_1323 : vector<16xi1>, vector<16xf32>
    %get3A_1343 = arith.constant 57 : i32
    %get3A_1344 = arith.index_cast %get3A_1343 : i32 to index
    %get3A_1345 = arith.index_cast %multiple_of3A_65 : i32 to index
    %get3A_1346 = tpu.vector_load %arg6[%get3A_1344, %get3A_1345] {strides = array<i32>} : memref<64x128xf32, #tpu.memory_space<vmem>>, vector<1x16xf32>,
    %get3A_1347 = vector.shape_cast %get3A_1346 : vector<1x16xf32> to vector<16xf32>
    %lt3A_1348 = arith.constant 0 : i32
    %lt3A_1349 = vector.broadcast %lt3A_1348 : i32 to vector<16xi32>
    %lt3A_1350 = arith.cmpi slt, %and3A_68, %lt3A_1349 : vector<16xi32>
    %add3A_1351 = arith.constant 16 : i32
    %add3A_1352 = vector.broadcast %add3A_1351 : i32 to vector<16xi32>
    %add3A_1353 = arith.addi %and3A_68, %add3A_1352 : vector<16xi32>
    %select_n3A_1354 = arith.select %lt3A_1350, %add3A_1353, %and3A_68 : vector<16xi1>, vector<16xi32>
    %broadcast_in_dim3A_1355 = vector.shape_cast %select_n3A_1354 : vector<16xi32> to vector<16x1xi32>
    %gather3A_1356 = vector.shape_cast %broadcast_in_dim3A_1355 : vector<16x1xi32> to vector<16xi32>
    %gather3A_1357 = tpu.dynamic_gather %get3A_1347[%gather3A_1356] in [0] : vector<16xf32>, vector<16xi32> -> vector<16xf32>
    %eq3A_1358 = arith.constant 9 : i32
    %eq3A_1359 = vector.broadcast %eq3A_1358 : i32 to vector<16xi32>
    %eq3A_1360 = arith.cmpi eq, %iota3A, %eq3A_1359 : vector<16xi32>
    %select_n3A_1361 = arith.select %eq3A_1360, %gather3A_1357, %select_n3A_1342 : vector<16xi1>, vector<16xf32>
    %get3A_1362 = arith.constant 58 : i32
    %get3A_1363 = arith.index_cast %get3A_1362 : i32 to index
    %get3A_1364 = arith.index_cast %multiple_of3A_65 : i32 to index
    %get3A_1365 = tpu.vector_load %arg6[%get3A_1363, %get3A_1364] {strides = array<i32>} : memref<64x128xf32, #tpu.memory_space<vmem>>, vector<1x16xf32>,
    %get3A_1366 = vector.shape_cast %get3A_1365 : vector<1x16xf32> to vector<16xf32>
    %lt3A_1367 = arith.constant 0 : i32
    %lt3A_1368 = vector.broadcast %lt3A_1367 : i32 to vector<16xi32>
    %lt3A_1369 = arith.cmpi slt, %and3A_68, %lt3A_1368 : vector<16xi32>
    %add3A_1370 = arith.constant 16 : i32
    %add3A_1371 = vector.broadcast %add3A_1370 : i32 to vector<16xi32>
    %add3A_1372 = arith.addi %and3A_68, %add3A_1371 : vector<16xi32>
    %select_n3A_1373 = arith.select %lt3A_1369, %add3A_1372, %and3A_68 : vector<16xi1>, vector<16xi32>
    %broadcast_in_dim3A_1374 = vector.shape_cast %select_n3A_1373 : vector<16xi32> to vector<16x1xi32>
    %gather3A_1375 = vector.shape_cast %broadcast_in_dim3A_1374 : vector<16x1xi32> to vector<16xi32>
    %gather3A_1376 = tpu.dynamic_gather %get3A_1366[%gather3A_1375] in [0] : vector<16xf32>, vector<16xi32> -> vector<16xf32>
    %eq3A_1377 = arith.constant 10 : i32
    %eq3A_1378 = vector.broadcast %eq3A_1377 : i32 to vector<16xi32>
    %eq3A_1379 = arith.cmpi eq, %iota3A, %eq3A_1378 : vector<16xi32>
    %select_n3A_1380 = arith.select %eq3A_1379, %gather3A_1376, %select_n3A_1361 : vector<16xi1>, vector<16xf32>
    %get3A_1381 = arith.constant 59 : i32
    %get3A_1382 = arith.index_cast %get3A_1381 : i32 to index
    %get3A_1383 = arith.index_cast %multiple_of3A_65 : i32 to index
    %get3A_1384 = tpu.vector_load %arg6[%get3A_1382, %get3A_1383] {strides = array<i32>} : memref<64x128xf32, #tpu.memory_space<vmem>>, vector<1x16xf32>,
    %get3A_1385 = vector.shape_cast %get3A_1384 : vector<1x16xf32> to vector<16xf32>
    %lt3A_1386 = arith.constant 0 : i32
    %lt3A_1387 = vector.broadcast %lt3A_1386 : i32 to vector<16xi32>
    %lt3A_1388 = arith.cmpi slt, %and3A_68, %lt3A_1387 : vector<16xi32>
    %add3A_1389 = arith.constant 16 : i32
    %add3A_1390 = vector.broadcast %add3A_1389 : i32 to vector<16xi32>
    %add3A_1391 = arith.addi %and3A_68, %add3A_1390 : vector<16xi32>
    %select_n3A_1392 = arith.select %lt3A_1388, %add3A_1391, %and3A_68 : vector<16xi1>, vector<16xi32>
    %broadcast_in_dim3A_1393 = vector.shape_cast %select_n3A_1392 : vector<16xi32> to vector<16x1xi32>
    %gather3A_1394 = vector.shape_cast %broadcast_in_dim3A_1393 : vector<16x1xi32> to vector<16xi32>
    %gather3A_1395 = tpu.dynamic_gather %get3A_1385[%gather3A_1394] in [0] : vector<16xf32>, vector<16xi32> -> vector<16xf32>
    %eq3A_1396 = arith.constant 11 : i32
    %eq3A_1397 = vector.broadcast %eq3A_1396 : i32 to vector<16xi32>
    %eq3A_1398 = arith.cmpi eq, %iota3A, %eq3A_1397 : vector<16xi32>
    %select_n3A_1399 = arith.select %eq3A_1398, %gather3A_1395, %select_n3A_1380 : vector<16xi1>, vector<16xf32>
    %get3A_1400 = arith.constant 60 : i32
    %get3A_1401 = arith.index_cast %get3A_1400 : i32 to index
    %get3A_1402 = arith.index_cast %multiple_of3A_65 : i32 to index
    %get3A_1403 = tpu.vector_load %arg6[%get3A_1401, %get3A_1402] {strides = array<i32>} : memref<64x128xf32, #tpu.memory_space<vmem>>, vector<1x16xf32>,
    %get3A_1404 = vector.shape_cast %get3A_1403 : vector<1x16xf32> to vector<16xf32>
    %lt3A_1405 = arith.constant 0 : i32
    %lt3A_1406 = vector.broadcast %lt3A_1405 : i32 to vector<16xi32>
    %lt3A_1407 = arith.cmpi slt, %and3A_68, %lt3A_1406 : vector<16xi32>
    %add3A_1408 = arith.constant 16 : i32
    %add3A_1409 = vector.broadcast %add3A_1408 : i32 to vector<16xi32>
    %add3A_1410 = arith.addi %and3A_68, %add3A_1409 : vector<16xi32>
    %select_n3A_1411 = arith.select %lt3A_1407, %add3A_1410, %and3A_68 : vector<16xi1>, vector<16xi32>
    %broadcast_in_dim3A_1412 = vector.shape_cast %select_n3A_1411 : vector<16xi32> to vector<16x1xi32>
    %gather3A_1413 = vector.shape_cast %broadcast_in_dim3A_1412 : vector<16x1xi32> to vector<16xi32>
    %gather3A_1414 = tpu.dynamic_gather %get3A_1404[%gather3A_1413] in [0] : vector<16xf32>, vector<16xi32> -> vector<16xf32>
    %eq3A_1415 = arith.constant 12 : i32
    %eq3A_1416 = vector.broadcast %eq3A_1415 : i32 to vector<16xi32>
    %eq3A_1417 = arith.cmpi eq, %iota3A, %eq3A_1416 : vector<16xi32>
    %select_n3A_1418 = arith.select %eq3A_1417, %gather3A_1414, %select_n3A_1399 : vector<16xi1>, vector<16xf32>
    %get3A_1419 = arith.constant 61 : i32
    %get3A_1420 = arith.index_cast %get3A_1419 : i32 to index
    %get3A_1421 = arith.index_cast %multiple_of3A_65 : i32 to index
    %get3A_1422 = tpu.vector_load %arg6[%get3A_1420, %get3A_1421] {strides = array<i32>} : memref<64x128xf32, #tpu.memory_space<vmem>>, vector<1x16xf32>,
    %get3A_1423 = vector.shape_cast %get3A_1422 : vector<1x16xf32> to vector<16xf32>
    %lt3A_1424 = arith.constant 0 : i32
    %lt3A_1425 = vector.broadcast %lt3A_1424 : i32 to vector<16xi32>
    %lt3A_1426 = arith.cmpi slt, %and3A_68, %lt3A_1425 : vector<16xi32>
    %add3A_1427 = arith.constant 16 : i32
    %add3A_1428 = vector.broadcast %add3A_1427 : i32 to vector<16xi32>
    %add3A_1429 = arith.addi %and3A_68, %add3A_1428 : vector<16xi32>
    %select_n3A_1430 = arith.select %lt3A_1426, %add3A_1429, %and3A_68 : vector<16xi1>, vector<16xi32>
    %broadcast_in_dim3A_1431 = vector.shape_cast %select_n3A_1430 : vector<16xi32> to vector<16x1xi32>
    %gather3A_1432 = vector.shape_cast %broadcast_in_dim3A_1431 : vector<16x1xi32> to vector<16xi32>
    %gather3A_1433 = tpu.dynamic_gather %get3A_1423[%gather3A_1432] in [0] : vector<16xf32>, vector<16xi32> -> vector<16xf32>
    %eq3A_1434 = arith.constant 13 : i32
    %eq3A_1435 = vector.broadcast %eq3A_1434 : i32 to vector<16xi32>
    %eq3A_1436 = arith.cmpi eq, %iota3A, %eq3A_1435 : vector<16xi32>
    %select_n3A_1437 = arith.select %eq3A_1436, %gather3A_1433, %select_n3A_1418 : vector<16xi1>, vector<16xf32>
    %get3A_1438 = arith.constant 62 : i32
    %get3A_1439 = arith.index_cast %get3A_1438 : i32 to index
    %get3A_1440 = arith.index_cast %multiple_of3A_65 : i32 to index
    %get3A_1441 = tpu.vector_load %arg6[%get3A_1439, %get3A_1440] {strides = array<i32>} : memref<64x128xf32, #tpu.memory_space<vmem>>, vector<1x16xf32>,
    %get3A_1442 = vector.shape_cast %get3A_1441 : vector<1x16xf32> to vector<16xf32>
    %lt3A_1443 = arith.constant 0 : i32
    %lt3A_1444 = vector.broadcast %lt3A_1443 : i32 to vector<16xi32>
    %lt3A_1445 = arith.cmpi slt, %and3A_68, %lt3A_1444 : vector<16xi32>
    %add3A_1446 = arith.constant 16 : i32
    %add3A_1447 = vector.broadcast %add3A_1446 : i32 to vector<16xi32>
    %add3A_1448 = arith.addi %and3A_68, %add3A_1447 : vector<16xi32>
    %select_n3A_1449 = arith.select %lt3A_1445, %add3A_1448, %and3A_68 : vector<16xi1>, vector<16xi32>
    %broadcast_in_dim3A_1450 = vector.shape_cast %select_n3A_1449 : vector<16xi32> to vector<16x1xi32>
    %gather3A_1451 = vector.shape_cast %broadcast_in_dim3A_1450 : vector<16x1xi32> to vector<16xi32>
    %gather3A_1452 = tpu.dynamic_gather %get3A_1442[%gather3A_1451] in [0] : vector<16xf32>, vector<16xi32> -> vector<16xf32>
    %eq3A_1453 = arith.constant 14 : i32
    %eq3A_1454 = vector.broadcast %eq3A_1453 : i32 to vector<16xi32>
    %eq3A_1455 = arith.cmpi eq, %iota3A, %eq3A_1454 : vector<16xi32>
    %select_n3A_1456 = arith.select %eq3A_1455, %gather3A_1452, %select_n3A_1437 : vector<16xi1>, vector<16xf32>
    %get3A_1457 = arith.constant 63 : i32
    %get3A_1458 = arith.index_cast %get3A_1457 : i32 to index
    %get3A_1459 = arith.index_cast %multiple_of3A_65 : i32 to index
    %get3A_1460 = tpu.vector_load %arg6[%get3A_1458, %get3A_1459] {strides = array<i32>} : memref<64x128xf32, #tpu.memory_space<vmem>>, vector<1x16xf32>,
    %get3A_1461 = vector.shape_cast %get3A_1460 : vector<1x16xf32> to vector<16xf32>
    %lt3A_1462 = arith.constant 0 : i32
    %lt3A_1463 = vector.broadcast %lt3A_1462 : i32 to vector<16xi32>
    %lt3A_1464 = arith.cmpi slt, %and3A_68, %lt3A_1463 : vector<16xi32>
    %add3A_1465 = arith.constant 16 : i32
    %add3A_1466 = vector.broadcast %add3A_1465 : i32 to vector<16xi32>
    %add3A_1467 = arith.addi %and3A_68, %add3A_1466 : vector<16xi32>
    %select_n3A_1468 = arith.select %lt3A_1464, %add3A_1467, %and3A_68 : vector<16xi1>, vector<16xi32>
    %broadcast_in_dim3A_1469 = vector.shape_cast %select_n3A_1468 : vector<16xi32> to vector<16x1xi32>
    %gather3A_1470 = vector.shape_cast %broadcast_in_dim3A_1469 : vector<16x1xi32> to vector<16xi32>
    %gather3A_1471 = tpu.dynamic_gather %get3A_1461[%gather3A_1470] in [0] : vector<16xf32>, vector<16xi32> -> vector<16xf32>
    %eq3A_1472 = arith.constant 15 : i32
    %eq3A_1473 = vector.broadcast %eq3A_1472 : i32 to vector<16xi32>
    %eq3A_1474 = arith.cmpi eq, %iota3A, %eq3A_1473 : vector<16xi32>
    %select_n3A_1475 = arith.select %eq3A_1474, %gather3A_1471, %select_n3A_1456 : vector<16xi1>, vector<16xf32>
    %sub3A_1476 = arith.constant 1.000000e+00 : f32
    %sub3A_1477 = vector.broadcast %sub3A_1476 : f32 to vector<16xf32>
    %sub3A_1478 = arith.subf %sub3A_1477, %select_n3A_1475 : vector<16xf32>
    %lt3A_1479 = arith.constant 0 : i32
    %lt3A_1480 = vector.broadcast %lt3A_1479 : i32 to vector<16xi32>
    %lt3A_1481 = arith.cmpi slt, %shift_right_arithmetic3A_70, %lt3A_1480 : vector<16xi32>
    %add3A_1482 = arith.constant 16 : i32
    %add3A_1483 = vector.broadcast %add3A_1482 : i32 to vector<16xi32>
    %add3A_1484 = arith.addi %shift_right_arithmetic3A_70, %add3A_1483 : vector<16xi32>
    %select_n3A_1485 = arith.select %lt3A_1481, %add3A_1484, %shift_right_arithmetic3A_70 : vector<16xi1>, vector<16xi32>
    %broadcast_in_dim3A_1486 = vector.shape_cast %select_n3A_1485 : vector<16xi32> to vector<16x1xi32>
    %gather3A_1487 = vector.shape_cast %broadcast_in_dim3A_1486 : vector<16x1xi32> to vector<16xi32>
    %gather3A_1488 = tpu.dynamic_gather %select_n3A_1475[%gather3A_1487] in [0] : vector<16xf32>, vector<16xi32> -> vector<16xf32>
    %lt3A_1489 = arith.constant 0 : i32
    %lt3A_1490 = vector.broadcast %lt3A_1489 : i32 to vector<16xi32>
    %lt3A_1491 = arith.cmpi slt, %shift_right_arithmetic3A_70, %lt3A_1490 : vector<16xi32>
    %add3A_1492 = arith.constant 16 : i32
    %add3A_1493 = vector.broadcast %add3A_1492 : i32 to vector<16xi32>
    %add3A_1494 = arith.addi %shift_right_arithmetic3A_70, %add3A_1493 : vector<16xi32>
    %select_n3A_1495 = arith.select %lt3A_1491, %add3A_1494, %shift_right_arithmetic3A_70 : vector<16xi1>, vector<16xi32>
    %broadcast_in_dim3A_1496 = vector.shape_cast %select_n3A_1495 : vector<16xi32> to vector<16x1xi32>
    %gather3A_1497 = vector.shape_cast %broadcast_in_dim3A_1496 : vector<16x1xi32> to vector<16xi32>
    %gather3A_1498 = tpu.dynamic_gather %sub3A_1478[%gather3A_1497] in [0] : vector<16xf32>, vector<16xi32> -> vector<16xf32>
    %select_n3A_1499 = arith.select %eq3A_75, %gather3A_1488, %gather3A_1498 : vector<16xi1>, vector<16xf32>
    %add3A_1500 = arith.constant 8 : i32
    %add3A_1501 = vector.broadcast %add3A_1500 : i32 to vector<16xi32>
    %add3A_1502 = arith.addi %add3A_1501, %shift_right_arithmetic3A_70 : vector<16xi32>
    %lt3A_1503 = arith.constant 0 : i32
    %lt3A_1504 = vector.broadcast %lt3A_1503 : i32 to vector<16xi32>
    %lt3A_1505 = arith.cmpi slt, %add3A_1502, %lt3A_1504 : vector<16xi32>
    %add3A_1506 = arith.constant 16 : i32
    %add3A_1507 = vector.broadcast %add3A_1506 : i32 to vector<16xi32>
    %add3A_1508 = arith.addi %add3A_1502, %add3A_1507 : vector<16xi32>
    %select_n3A_1509 = arith.select %lt3A_1505, %add3A_1508, %add3A_1502 : vector<16xi1>, vector<16xi32>
    %broadcast_in_dim3A_1510 = vector.shape_cast %select_n3A_1509 : vector<16xi32> to vector<16x1xi32>
    %gather3A_1511 = vector.shape_cast %broadcast_in_dim3A_1510 : vector<16x1xi32> to vector<16xi32>
    %gather3A_1512 = tpu.dynamic_gather %select_n3A_1475[%gather3A_1511] in [0] : vector<16xf32>, vector<16xi32> -> vector<16xf32>
    %add3A_1513 = arith.constant 8 : i32
    %add3A_1514 = vector.broadcast %add3A_1513 : i32 to vector<16xi32>
    %add3A_1515 = arith.addi %add3A_1514, %shift_right_arithmetic3A_70 : vector<16xi32>
    %lt3A_1516 = arith.constant 0 : i32
    %lt3A_1517 = vector.broadcast %lt3A_1516 : i32 to vector<16xi32>
    %lt3A_1518 = arith.cmpi slt, %add3A_1515, %lt3A_1517 : vector<16xi32>
    %add3A_1519 = arith.constant 16 : i32
    %add3A_1520 = vector.broadcast %add3A_1519 : i32 to vector<16xi32>
    %add3A_1521 = arith.addi %add3A_1515, %add3A_1520 : vector<16xi32>
    %select_n3A_1522 = arith.select %lt3A_1518, %add3A_1521, %add3A_1515 : vector<16xi1>, vector<16xi32>
    %broadcast_in_dim3A_1523 = vector.shape_cast %select_n3A_1522 : vector<16xi32> to vector<16x1xi32>
    %gather3A_1524 = vector.shape_cast %broadcast_in_dim3A_1523 : vector<16x1xi32> to vector<16xi32>
    %gather3A_1525 = tpu.dynamic_gather %sub3A_1478[%gather3A_1524] in [0] : vector<16xf32>, vector<16xi32> -> vector<16xf32>
    %select_n3A_1526 = arith.select %eq3A_75, %gather3A_1512, %gather3A_1525 : vector<16xi1>, vector<16xf32>
    %swap3A_1527 = arith.constant 96 : index
    %swap3A_1528 = tpu.vector_load %arg7[%swap3A_1527] {strides = array<i32>} : memref<128xf32, #tpu.memory_space<vmem>>, vector<16xf32>,
    %swap3A_1529 = vector.shape_cast %swap3A_1528 : vector<16xf32> to vector<16xf32>
    %swap3A_1530 = vector.shape_cast %select_n3A_1499 : vector<16xf32> to vector<16xf32>
    tpu.vector_store %arg7[%swap3A_1527], %swap3A_1530 {strides = array<i32>} : memref<128xf32, #tpu.memory_space<vmem>>, vector<16xf32>,
    %swap3A_1531 = arith.constant 112 : index
    %swap3A_1532 = tpu.vector_load %arg7[%swap3A_1531] {strides = array<i32>} : memref<128xf32, #tpu.memory_space<vmem>>, vector<16xf32>,
    %swap3A_1533 = vector.shape_cast %swap3A_1532 : vector<16xf32> to vector<16xf32>
    %swap3A_1534 = vector.shape_cast %select_n3A_1526 : vector<16xf32> to vector<16xf32>
    tpu.vector_store %arg7[%swap3A_1531], %swap3A_1534 {strides = array<i32>} : memref<128xf32, #tpu.memory_space<vmem>>, vector<16xf32>,
    %mul3A_1535 = arith.constant 2 : i32
    %mul3A_1536 = arith.muli %multiple_of3A, %mul3A_1535 : i32
    "tpu.region"() ({
      %run_scoped3A = tpu.sem_alloc : memref<!tpu.dma_semaphore, #tpu.memory_space<semaphore_mem>>
      %dma_start3A = tpu.memref_slice %arg4[%mul3A_1536] : memref<2048xf32, #tpu.memory_space<hbm>> -> memref<128xf32, #tpu.memory_space<hbm>>
      %dma_start3A_1537 = tpu.memref_slice %arg4[%mul3A_1536] : memref<2048xf32, #tpu.memory_space<hbm>> -> memref<128xf32, #tpu.memory_space<hbm>>
      tpu.enqueue_dma source(%arg7 : memref<128xf32, #tpu.memory_space<vmem>>) target(%dma_start3A_1537 : memref<128xf32, #tpu.memory_space<hbm>>) target_semaphore(%run_scoped3A : memref<!tpu.dma_semaphore, #tpu.memory_space<semaphore_mem>>)
      %dma_wait3A = tpu.memref_slice %arg4[%mul3A_1536] : memref<2048xf32, #tpu.memory_space<hbm>> -> memref<128xf32, #tpu.memory_space<hbm>>
      %dma_wait3A_1538 = tpu.memref_slice %arg4[%mul3A_1536] : memref<2048xf32, #tpu.memory_space<hbm>> -> memref<128xf32, #tpu.memory_space<hbm>>
      tpu.wait_dma2 semaphore(%run_scoped3A : memref<!tpu.dma_semaphore, #tpu.memory_space<semaphore_mem>>) src(%arg7 : memref<128xf32, #tpu.memory_space<vmem>>) dst(%dma_wait3A_1538 : memref<128xf32, #tpu.memory_space<hbm>>)
      tpu.yield
    }) : () -> ()
    return
  }
}

</mosaic_0001>

<sc_bundles>
// kernel: kernel.3.cloned.1.call-start
scs
__scs_entry_jumppad:
0x0: {  	(pc) =	sbr.rel $0x88, $3  }
0x1: {  	(tag) =	ssettag $0x0;
	lr =	simm.s32 $0x1  }
0x2: {  	[smem:$0x3F9F] =	sst lr;
	_ =	strace $0xD0000000  }
0x3: {  	_ = 	snop  }
0x4: {  	_ = 	snop  }
0x5: {  	_ = 	snop  }
0x6: {  	_ = 	snop  }
0x7: {  	_ = 	snop  }
__scs_overlays_trampoline_lowered:
0x8: {  	[smem:$0x3FAE] =	sst s0  }
0x9: {  	[smem:$0x3FAF] =	sst s1  }
0xa: {  	[smem:$0x3FB0] =	sst s2  }
0xb: {  	[smem:$0x3FB1] =	sst s3  }
0xc: {  	[smem:$0x3FB2] =	sst s4  }
0xd: {  	[smem:$0x3FB3] =	sst s5  }
0xe: {  	[smem:$0x3FB4] =	sst s6  }
0xf: {  	[smem:$0x3FB5] =	sst s7  }
0x10: {  	[smem:$0x3FB6] =	sst s8  }
0x11: {  	[smem:$0x3FB7] =	sst s9;
	s0 =	simm.s32 @!p0 $0x0  }
0x12: {  	s1 =	sld [smem:$0x3F9D];
	s0 =	simm.s32 @p0 $0x1  }
0x13: {  	[smem:$0x3FB8] =	sst s0;
	s0 =	simm.s32 @!p1 $0x0  }
0x14: {  	s2 =	sld [smem:$0x3F9C];
	s0 =	simm.s32 @p1 $0x1  }
0x15: {  	[smem:$0x3FB9] =	sst s0;
	s0 =	simm.s32 @!p2 $0x0  }
0x16: {  	s3 =	sld [smem:$0x3FDB];
	s0 =	simm.s32 @p2 $0x1  }
0x17: {  	s4 =	simm.s32 $0x1BF5;
	[smem:$0x3FBB] =	sst s0  }
0x18: {  	s0 =	sld [smem:$0x3F9E];
	_ =	swait.ge [sflag:s4], $0x0  }
0x19: {  	s7 =	sld [smem:$0x3F9F]  }
0x1a: {  	s8 =	sadd.s32 $0xFFFFE003, lr  }
0x1b: {  	s9 =	sadd.s32 $0xFFFFFEF7, lr;
	s5 =	simm.s32 $0xFFFFFFFF;
	p2 =	slt.u32 s8, $0xFFFFF086  }
0x1c: {  	p1 =	slt.u32 s9, $0xF7A;
	s5 =	simm.s32 @!p2 $0x0  }
0x1d: {  	s5 =	simm.s32 @p1 $0x1;
	p0 =	seq.s32 s7, s2  }
0x1e: {  	s7 =	smul.u32 @!p0 $0xF7A, s2;
	p2 =	seq.s32 @!p0 s5, $0x0  }
0x1f: {  	s9 =	smul.u32 $0xF7A, s1;
	s8 =	simm.s32 @!p0 $0x1BF5;
	p2 =	por !p2, p0  }
0x20: {  	[sflag:s8] =	ssyncset.s32 @!p0 $0xFFFFF086;
	s6 =	sadd.s32 @!p0 s3, s7;
	s7 =	simm.s32 @!p0 $0x108  }
0x21: {  	s3 =	sadd.s32 s3, s9;
	s6 =	sadd.s32 @!p0 $0x88, s6;
	s7 =	simm.s32 @p2 $0x1082  }
0x22: {  	[simem:s7], [sflag:s8] =	dma.local @!p0 [hbm:s6], $0xF7A  }
0x23: {  	s9 =	sor.u32 $0xD0000000, s2;
	s6 =	simm.s32 $0x108;
	_ =	swait.ge @!p0 [sflag:s8], $0x0  }
0x24: {  	s3 =	sadd.s32 $0x88, s3;
	s6 =	simm.s32 @!p1 $0x1082;
	[sflag:s4] =	ssyncset.s32 $0xFFFFF086  }
0x25: {  	[simem:s6], [sflag:s4] =	dma.local [hbm:s3], $0xF7A  }
0x26: {  	[smem:$0x3F9F] =	sst s1;
	(tag) =	ssettag s2;
	_ =	strace s9  }
0x27: {  	s1 =	sld [smem:$0x3FAF]  }
0x28: {  	s2 =	sld [smem:$0x3FB0]  }
0x29: {  	s4 =	sld [smem:$0x3FB2]  }
0x2a: {  	p0 =	seq.s32 s5, $0x0;
	s5 =	sld [smem:$0x3FB3]  }
0x2b: {  	s6 =	sld [smem:$0x3FB4]  }
0x2c: {  	s7 =	sld [smem:$0x3FB5]  }
0x2d: {  	s3 =	simm.s32 $0x108;
	s8 =	sld [smem:$0x3FB6]  }
0x2e: {  	s3 =	simm.s32 @!p0 $0x1082;
	s9 =	sld [smem:$0x3FB7]  }
0x2f: {  	lr =	sadd.s32 s0, s3;
	s0 =	sld [smem:$0x3FAE]  }
0x30: {  	s3 =	sld [smem:$0x3FB1]  }
0x31: {  	[smem:$0x3FBA] =	sst s10  }
0x32: {  	s10 =	sld [smem:$0x3FB8];
	_ =	sdelay $0x3  }
0x33: {  	p0 =	seq.s32 s10, $0x1;
	s10 =	sld [smem:$0x3FBA];
	_ =	sdelay $0x3  }
0x34: {  	[smem:$0x3FBA] =	sst s10  }
0x35: {  	s10 =	sld [smem:$0x3FB9];
	_ =	sdelay $0x3  }
0x36: {  	p1 =	seq.s32 s10, $0x1;
	s10 =	sld [smem:$0x3FBA];
	_ =	sdelay $0x3  }
0x37: {  	[smem:$0x3FBA] =	sst s10  }
0x38: {  	s10 =	sld [smem:$0x3FBB]  }
0x39: {  	_ = 	snop;
	(pc) =	sbr.ind lr, $3  }
0x3a: {  	_ = 	snop  }
0x3b: {  	_ = 	snop  }
0x3c: {  	p2 =	seq.s32 s10, $0x1;
	s10 =	sld [smem:$0x3FBA]  }
0x3d: {  	_ =	shalt  }
0x3e: {  	_ =	shalt  }
0x3f: {  	_ =	shalt  }
0x40: {  	_ =	shalt  }
0x41: {  	_ =	shalt  }
0x42: {  	_ =	shalt  }
0x43: {  	_ =	shalt  }
0x44: {  	_ =	shalt  }
0x45: {  	_ =	shalt  }
0x46: {  	_ =	shalt  }
0x47: {  	_ =	shalt  }
0x48: {  	_ =	shalt  }
0x49: {  	_ =	shalt  }
0x4a: {  	_ =	shalt  }
0x4b: {  	_ =	shalt  }
0x4c: {  	_ =	shalt  }
0x4d: {  	_ =	shalt  }
0x4e: {  	_ =	shalt  }
0x4f: {  	_ =	shalt  }
0x50: {  	_ =	shalt  }
0x51: {  	_ =	shalt  }
0x52: {  	_ =	shalt  }
0x53: {  	_ =	shalt  }
0x54: {  	_ =	shalt  }
0x55: {  	_ =	shalt  }
0x56: {  	_ =	shalt  }
0x57: {  	_ =	shalt  }
0x58: {  	_ =	shalt  }
0x59: {  	_ =	shalt  }
0x5a: {  	_ =	shalt  }
0x5b: {  	_ =	shalt  }
0x5c: {  	_ =	shalt  }
0x5d: {  	_ =	shalt  }
0x5e: {  	_ =	shalt  }
0x5f: {  	_ =	shalt  }
0x60: {  	_ =	shalt  }
0x61: {  	_ =	shalt  }
0x62: {  	_ =	shalt  }
0x63: {  	_ =	shalt  }
0x64: {  	_ =	shalt  }
0x65: {  	_ =	shalt  }
0x66: {  	_ =	shalt  }
0x67: {  	_ =	shalt  }
0x68: {  	_ =	shalt  }
0x69: {  	_ =	shalt  }
0x6a: {  	_ =	shalt  }
0x6b: {  	_ =	shalt  }
0x6c: {  	_ =	shalt  }
0x6d: {  	_ =	shalt  }
0x6e: {  	_ =	shalt  }
0x6f: {  	_ =	shalt  }
0x70: {  	_ =	shalt  }
0x71: {  	_ =	shalt  }
0x72: {  	_ =	shalt  }
0x73: {  	_ =	shalt  }
0x74: {  	_ =	shalt  }
0x75: {  	_ =	shalt  }
0x76: {  	_ =	shalt  }
0x77: {  	_ =	shalt  }
0x78: {  	_ =	shalt  }
0x79: {  	_ =	shalt  }
0x7a: {  	_ =	shalt  }
0x7b: {  	_ =	shalt  }
0x7c: {  	_ =	shalt  }
0x7d: {  	_ =	shalt  }
0x7e: {  	_ =	shalt  }
0x7f: {  	_ =	shalt  }
0x80: {  	_ =	shalt  }
0x81: {  	_ =	shalt  }
0x82: {  	_ =	shalt  }
0x83: {  	_ =	shalt  }
0x84: {  	_ =	shalt  }
0x85: {  	_ =	shalt  }
0x86: {  	_ =	shalt  }
0x87: {  	_ =	shalt  }
.Lfunc_end0:
.L_simem_size_0:
called_computation_lowered:
.L_overlay_start_0:
0x88: {  	s0 =	sld [smem:$0x3FD9]  }
0x89: {  	s1 =	sld [smem:$0x3FFE];
	_ =	sdelay $0x3  }
0x8a: {  	s0 =	sadd.s32 s1, s0  }
0x8b: {  	[smem:$0x3FC6] =	sst s0  }
0x8c: {  	_ = 	snop  }
0x8d: {  	s0 =	sld [smem:$0x3FC9]  }
0x8e: {  	s17 =	sld [smem:$0x3FC8]  }
0x8f: {  	s2 =	sld [smem:$0x3FD0];
	(tm) =	ssettm $0x1  }
0x90: {  	s3 =	sld [smem:$0x3FFB];
	_ =	sdelay $0x3  }
0x91: {  	_ =	strace s3  }
0x92: {  	s3 =	sld [smem:$0x3FFC];
	_ =	sdelay $0x3  }
0x93: {  	_ =	strace s3  }
0x94: {  	s3 =	sld [smem:$0x3FFD];
	_ =	sdelay $0x3  }
0x95: {  	_ =	strace s3  }
0x96: {  	_ =	strace $0x8FFFFFFF  }
0x97: {  	s18 =	sld [smem:$0x3FDB];
	_ =	sdelay $0x1  }
0x98: {  	s4 =	simm.s32 $_scs_section_size  }
0x99: {  	s5 =	simm.s32 $_size__tile_overlayer_lowered;
	s6 =	simm.s32 $_tile_overlayer_lowered  }
0x9a: {  	s21 =	simm.s32 $0x1BFF;
	s20 =	sshll.u32 s6, $0x1;
	s3 =	sadd.s32 s4, s18  }
0x9b: {  	s7 =	simm.s32 $0x0;
	s19 =	sshll.u32 s5, $0x1;
	s5 =	sadd.s32 s20, s3  }
0x9c: {  	[timem:s7], [sflag:s21] =	dma.local [hbm:s5], s19  }
0x9d: {  	_ =	swait.ge [sflag:s21], s19  }
0x9e: {  	s4 =	ssub.s32 $0x0, s19;
	[sflag:s21] =	ssyncset.done $0x0  }
0x9f: {  	[sflag:s21] =	ssyncadd.s32 s4;
	_ =	sdelay $0x1  }
0xa0: {  	s22 =	simm.s32 $0x1B8B  }
0xa1: {  	_ =	swait.ge [sflag:s22], $0x1  }
0xa2: {  	[sflag:s22] =	ssyncset.done $0x0  }
0xa3: {  	s23 =	simm.s32 $0x1B8E;
	[sflag:s22] =	ssyncadd.s32 $0xFFFFFFFF  }
0xa4: {  	s24 =	simm.s32 $execute0_lowered;
	[smem:$0x3FD2] =	sst s23  }
0xa5: {  	s4 =	sshll.u32 s24, $0x1;
	_ =	strace $0x80000046;
	[dreg:$0x1] =	wrdreg $0xFFFFFFFF  }
0xa6: {  	s25 =	simm.s32 $_size_execute0_lowered;
	s3 =	sadd.s32 s3, s4;
	[dreg:$0x0] =	wrdreg $0x0  }
0xa7: {  	s4 =	sshll.u32 s25, $0x1;
	[dreg:$0x2] =	wrdreg s3  }
0xa8: {  	[dreg:$0x3] =	wrdreg s4  }
0xa9: {  	[dreg:$0x4] =	wrdreg $0xC0  }
0xaa: {  	_ =	task [dreg:s7], $0x5FFFF  }
0xab: {  	[dreg:$0x1] =	wrdreg $0xFFFFFFFF  }
0xac: {  	[dreg:$0x0] =	wrdreg $0x60  }
0xad: {  	[dreg:$0x2] =	wrdreg s0  }
0xae: {  	[dreg:$0x3] =	wrdreg s17  }
0xaf: {  	[dreg:$0x4] =	wrdreg s2  }
0xb0: {  	[dreg:$0x5] =	wrdreg $0x9  }
0xb1: {  	_ =	task.clear_ibuf [dreg:s7], $0x6FFFF;
	_ =	strace $0x90000046  }
0xb2: {  	s26 =	simm.s32 $0x9;
	_ =	strace $0x80000048  }
0xb3: {  	_ =	swait.ge [sflag:s26], $0x1  }
0xb4: {  	[sflag:s26] =	ssyncadd.s32 $0xFFFFFFFF  }
0xb5: {  	_ =	strace $0x90000048  }
0xb6: {  	_ =	sfence  }
0xb7: {  	s28 =	sld [smem:$0x0];
	_ =	sdelay $0x1  }
0xb8: {  	s29 =	srdreg.scid  }
0xb9: {  	s30 =	sshll.u32 s29, $0xD;
	s31 =	sshrl.u32 s29, $0x2  }
0xba: {  	s1 =	sand.u32 $0x1, s29;
	s2 =	sand.u32 $0x4000, s30;
	s0 =	sadd.s32 s31, s28  }
0xbb: {  	s1 =	sor.u32 s2, s1;
	s0 =	sshll.u32 s0, $0x11  }
0xbc: {  	s0 =	sor.u32 s0, s1  }
0xbd: {  	s0 =	sadd.s32 $0x8F2B, s0  }
0xbe: {  	[sflag:s0] =	ssyncadd.remote.s32 $0x1  }
0xbf: {  	_ =	sfence.sel $0xFFFF  }
0xc0: {  	[dreg:$0x0] =	wrdreg $0xFFFFFFFF;
	(pc) =	sbr.abs _section_cstart, $3  }
0xc1: {  	[dreg:$0x1] =	wrdreg $0xFFFFFFFF  }
0xc2: {  	_ =	task.clear_ibuf [dreg:s7], $0x2FFFF;
	_ =	strace $0x9FFFFFFF  }
0xc3: {  	(tm) =	ssettm $0x7FFFFFFF  }
tec
execute0_lowered:
.L_overlay_start_1:
0x0: {  	(tag) =	ssettag $0x1  }
0x1: {  	s3 =	rddreg [dreg:$0x0]  }
0x2: {  	s5 =	rddreg [dreg:$0x1]  }
0x3: {  	s2 =	rddreg [dreg:$0x2];
	s1 =	simm.s32 $0x0  }
0x4: {  	[smem:$0x7FF] =	sst s1  }
0x5: {  	s0 =	rddreg [dreg:$0x3];
	s25 =	simm.s32 $0x1;
	_ =	strace $0x80000047  }
0x6: {  	[tilespmem:s1], [sflag:$0x1] =	stream.linear.gather [hbm4b:s3+s1], $0x80, $0x38;
	[tilespmem:$0x2100] =	vst v63  }
0x7: {  	v39 =	vimm.s32 $0x1020408;
	v1 =	vimm.s32 $0x10204080;
	_ =	swait.ge [sflag:s25], $0x80  }
0x8: {  	v2 =	vimm.s32 $0x8000;
	vm1 =	vcmask $0x704;
	vm9 =	vcmask $0xB08;
	[sflag:s25] =	ssyncset.done $0x0  }
0x9: {  	vm10 =	vcmask $0xF0C;
	vm14 =	vcmask $0x1310;
	vm11 =	vcmask $0x1F10;
	[sflag:s25] =	ssyncadd.s32 $0xFFFFFF80  }
0xa: {  	v3 =	vimm.s32 $0xFEDCBA98;
	vm2 =	vcmask $0x1714;
	v4 =	vimm.s32 $0x76543210;
	v0 =	vld [tilespmem:$0x0]  }
0xb: {  	vm15 =	vcmask $0x1B18;
	vm12 =	vcmask $0x1F1C;
	v2 =	vsel vm1, $0x4000, v2  }
0xc: {  	v43 =	vimm.s32 $0xBA98FEDC;
	v45 =	vimm.s32 $0x32107654;
	v2 =	vsel vm9, $0x2000, v2  }
0xd: {  	v1 =	vunpack.c.0.s8.s32 v1;
	v3 =	vunpack.c.l.s4.s8 v3;
	v2 =	vsel vm10, $0x1000, v2  }
0xe: {  	v4 =	vunpack.c.l.s4.s8 v4;
	v44 =	vunpack.c.l.s4.s8 v43;
	v2 =	vsel vm14, $0x800, v2  }
0xf: {  	v2 =	vsel vm2, $0x400, v2;
	vm0 =	vgt.f32 v0, $5.000000000e-01;
	v0 =	vunpack.c.0.s8.s32 v39  }
0x10: {  	v1 =	vand.u32 $0xFF, v1;
	v3 =	vunpack.c.0.s8.s32 v3;
	v2 =	vsel vm15, $0x200, v2  }
0x11: {  	v41 =	vunpack.c.0.s8.s32 v4;
	v40 =	vsel vm12, $0x100, v2;
	v0 =	vsel vm11, v0, v1  }
0x12: {  	v42 =	vand.u32 $0xF, v3;
	v3 =	vunpack.c.l.s4.s8 v45;
	v0 =	vcombine.low v40, v0  }
0x13: {  	v46 =	vimm.s32 $0xDCFE98BA;
	v5 =	vimm.s32 $0x54761032;
	v1 =	vcombine.low v42, v41  }
0x14: {  	v2 =	vunpack.c.0.s8.s32 v44;
	v3 =	vunpack.c.0.s8.s32 v3;
	v0 =	vnsel vm0, $0x0, v0  }
0x15: {  	v5 =	vunpack.c.l.s4.s8 v5;
	v4 =	vunpack.c.l.s4.s8 v46;
	v1 =	vperm.xlane v0, v1  }
0x16: {  	v50 =	vimm.s32 $0xEFCDAB89;
	v51 =	vimm.s32 $0x67452301;
	v47 =	vcombine.low v3, v2  }
0x17: {  	v49 =	vunpack.c.0.s8.s32 v5;
	v48 =	vunpack.c.0.s8.s32 v4;
	v0 =	vadd.s32 v1, v0  }
0x18: {  	v5 =	vunpack.c.l.s4.s8 v51;
	v4 =	vunpack.c.l.s4.s8 v50;
	v1 =	vperm.xlane v0, v47  }
0x19: {  	v2 =	vcombine.low v49, v48  }
0x1a: {  	v53 =	vunpack.c.0.s8.s32 v5;
	v52 =	vunpack.c.0.s8.s32 v4;
	v0 =	vadd.s32 v1, v0  }
0x1b: {  	v2 =	vperm.xlane v0, v2  }
0x1c: {  	v1 =	vcombine.low v53, v52  }
0x1d: {  	v0 =	vadd.s32 v2, v0  }
0x1e: {  	v1 =	vperm.xlane v0, v1;
	_ =	sdelay $0x1  }
0x1f: {  	v0 =	vadd.s32 v1, v0  }
0x20: {  	(v2sf) =	vpush v0, $0x0;
	_ =	sdelay $0xd  }
0x21: {  	s4 =	stileid.u32  }
0x22: {  	s6 =	sshll.u32 s4, $0x13;
	s7 =	spop (v2sf)  }
0x23: {  	s28 =	simm.s32 $0x400;
	s5 =	sadd.s32 s5, s6;
	s26 =	sand.u32 $0xFFFFF80, s7  }
0x24: {  	s8 =	simm.s32 $0x80000;
	s9 =	simm.s32 $0x80;
	s5 =	sadd.s32 s26, s5  }
0x25: {  	[tilespmem:s9], [sflag:$0x1] =	stream.strided.gather [hbm4b:s5+s28], $0x2000, s8, s28, $0x38;
	[tilespmem:$0x2100] =	vst v63  }
0x26: {  	_ =	swait.ge [sflag:s25], $0x2000  }
0x27: {  	[sflag:s25] =	ssyncset.done $0x0  }
0x28: {  	s29 =	sand.u32 $0x70, s7;
	[sflag:s25] =	ssyncadd.s32 $0xFFFFE000  }
0x29: {  	v54 =	vld [tilespmem:s29+$0x80]  }
0x2a: {  	v55 =	vld [tilespmem:s29+$0x100]  }
0x2b: {  	v56 =	vld [tilespmem:s29+$0x180]  }
0x2c: {  	v57 =	vld [tilespmem:s29+$0x200]  }
0x2d: {  	v58 =	vld [tilespmem:s29+$0x280]  }
0x2e: {  	vm13 =	vmmov $0x1;
	v6 =	vld [tilespmem:s29+$0x300]  }
0x2f: {  	v8 =	vimm.s32 $0x0;
	vm3 =	vmmov $0xf;
	vm4 =	vmmov $0x1f;
	v7 =	vld [tilespmem:s29+$0x380]  }
0x30: {  	vm5 =	vmmov $0x3f;
	vm6 =	vmmov $0x7f;
	v0 =	vand.u32 $0xF, v0;
	v59 =	vld [tilespmem:s29+$0x400]  }
0x31: {  	vm7 =	vmmov $0xff;
	v61 =	vld [tilespmem:s29+$0x480];
	v1 =	vperm.xlane v54, v0;
	v2 =	vperm.xlane v55, v0  }
0x32: {  	vm8 =	vmmov $0x1ff;
	v8 =	vsel vm13, $0xFFFFFFFF, v8;
	v63 =	vld [tilespmem:s29+$0x500];
	v3 =	vperm.xlane v56, v0  }
0x33: {  	vm1 =	vmmov $0x3;
	v13 =	vld [tilespmem:s29+$0x580];
	v60 =	vperm.xlane v57, v0;
	v1 =	vsel vm13, v1, v2  }
0x34: {  	vm2 =	vmmov $0x7;
	v15 =	vld [tilespmem:s29+$0x600];
	v62 =	vperm.xlane v58, v0;
	v1 =	vsel vm1, v1, v3  }
0x35: {  	vm9 =	vmmov $0x3ff;
	v17 =	vld [tilespmem:s29+$0x680];
	v12 =	vperm.xlane v6, v0;
	v1 =	vsel vm2, v1, v60  }
0x36: {  	vm10 =	vmmov $0x7ff;
	v20 =	vld [tilespmem:s29+$0x700];
	v14 =	vperm.xlane v7, v0;
	v1 =	vsel vm3, v1, v62  }
0x37: {  	vm12 =	vmmov $0x1fff;
	v22 =	vld [tilespmem:s29+$0x780];
	v16 =	vperm.xlane v59, v0;
	v1 =	vsel vm4, v1, v12  }
0x38: {  	vm11 =	vmmov $0xfff;
	v25 =	vld [tilespmem:s29+$0x800];
	v18 =	vperm.xlane v61, v0;
	v1 =	vsel vm5, v1, v14  }
0x39: {  	vm0 =	vcmask $0xB08;
	v19 =	vperm.xlane v63, v0;
	v1 =	vsel vm6, v1, v16  }
0x3a: {  	v21 =	vperm.xlane v13, v0;
	v23 =	vperm.xlane v15, v0;
	v1 =	vsel vm7, v1, v18  }
0x3b: {  	v24 =	vperm.xlane v17, v0;
	v26 =	vperm.xlane v20, v0;
	v1 =	vsel vm8, v1, v19  }
0x3c: {  	v27 =	vperm.xlane v22, v0;
	vm13 =	vcmask $0x300;
	v1 =	vsel vm9, v1, v21  }
0x3d: {  	v2 =	vperm.xlane v25, v0;
	vm0 =	vmor vm13, vm0;
	v1 =	vsel vm10, v1, v23  }
0x3e: {  	vm13 =	vmmov $0x3fff;
	vm0 =	vmor vm0, vm14;
	v1 =	vsel vm11, v1, v24  }
0x3f: {  	vm14 =	vcmask $0x2320;
	vm0 =	vmor vm0, vm15;
	v1 =	vsel vm12, v1, v26  }
0x40: {  	vm0 =	vmor vm0, vm14;
	vm14 =	vmmov $0x7fff;
	v1 =	vsel vm13, v1, v27  }
0x41: {  	v29 =	vlaneseq.u32;
	vm15 =	vcmask $0x2B28;
	v28 =	vsel vm14, v1, v2  }
0x42: {  	vm0 =	vmor vm0, vm15;
	vm15 =	vcmask $0x3330;
	v30 =	vsub.f32 $1.000000000e+00, v28  }
0x43: {  	vm0 =	vmor vm0, vm15;
	vm15 =	vcmask $0x3B38;
	v1 =	vshrl.u32 v29, $0x1  }
0x44: {  	v31 =	vperm.xlane v28, v1;
	v2 =	vor.u32 $0x8, v1;
	v32 =	vperm.xlane v30, v1  }
0x45: {  	vm15 =	vmor vm0, vm15;
	v3 =	vperm.xlane v28, v2;
	v4 =	vperm.xlane v30, v2  }
0x46: {  	[tilespmem:$0x1FFF0] =	vst v8;
	v5 =	vsel vm15, v31, v32  }
0x47: {  	v3 =	vsel vm15, v3, v4;
	[tilespmem:$0x2080] =	vst v5  }
0x48: {  	v11 =	vld [tilespmem:$0x1FFF0];
	[tilespmem:$0x2090] =	vst v3  }
0x49: {  	v3 =	vld [tilespmem:s29+$0x880]  }
0x4a: {  	v33 =	vld [tilespmem:s29+$0x900]  }
0x4b: {  	v5 =	vld [tilespmem:s29+$0x980]  }
0x4c: {  	v34 =	vld [tilespmem:s29+$0xA00]  }
0x4d: {  	v35 =	vld [tilespmem:s29+$0xA80]  }
0x4e: {  	v36 =	vld [tilespmem:s29+$0xB00]  }
0x4f: {  	v9 =	vld [tilespmem:s29+$0xB80];
	v3 =	vperm.xlane v3, v0;
	v4 =	vperm.xlane v33, v0  }
0x50: {  	vm0 =	vnez.u8 v11;
	v10 =	vld [tilespmem:s29+$0xC00];
	v5 =	vperm.xlane v5, v0  }
0x51: {  	v38 =	vld [tilespmem:s29+$0xC80];
	v37 =	vperm.xlane v34, v0;
	v3 =	vsel vm0, v3, v4  }
0x52: {  	v40 =	vld [tilespmem:s29+$0xD00];
	v39 =	vperm.xlane v35, v0;
	v3 =	vsel vm1, v3, v5  }
0x53: {  	v42 =	vld [tilespmem:s29+$0xD80];
	v41 =	vperm.xlane v36, v0;
	v3 =	vsel vm2, v3, v37  }
0x54: {  	v44 =	vld [tilespmem:s29+$0xE00];
	v43 =	vperm.xlane v9, v0;
	v3 =	vsel vm3, v3, v39  }
0x55: {  	v46 =	vld [tilespmem:s29+$0xE80];
	v45 =	vperm.xlane v10, v0;
	v3 =	vsel vm4, v3, v41  }
0x56: {  	v48 =	vld [tilespmem:s29+$0xF00];
	v47 =	vperm.xlane v38, v0;
	v3 =	vsel vm5, v3, v43  }
0x57: {  	v50 =	vld [tilespmem:s29+$0xF80];
	v49 =	vperm.xlane v40, v0;
	v3 =	vsel vm6, v3, v45  }
0x58: {  	v52 =	vld [tilespmem:s29+$0x1000];
	v51 =	vperm.xlane v42, v0;
	v3 =	vsel vm7, v3, v47  }
0x59: {  	v53 =	vperm.xlane v44, v0;
	v3 =	vsel vm8, v3, v49  }
0x5a: {  	v54 =	vperm.xlane v46, v0;
	v3 =	vsel vm9, v3, v51  }
0x5b: {  	v55 =	vperm.xlane v48, v0;
	v3 =	vsel vm10, v3, v53  }
0x5c: {  	v56 =	vperm.xlane v50, v0;
	v3 =	vsel vm11, v3, v54  }
0x5d: {  	v57 =	vperm.xlane v52, v0;
	v3 =	vsel vm12, v3, v55  }
0x5e: {  	v3 =	vsel vm13, v3, v56  }
0x5f: {  	v3 =	vsel vm14, v3, v57  }
0x60: {  	v4 =	vsub.f32 $1.000000000e+00, v3;
	_ =	sdelay $0x1  }
0x61: {  	v58 =	vperm.xlane v3, v1;
	v59 =	vperm.xlane v4, v1  }
0x62: {  	v3 =	vperm.xlane v3, v2;
	v4 =	vperm.xlane v4, v2  }
0x63: {  	v5 =	vsel vm15, v58, v59  }
0x64: {  	v3 =	vsel vm15, v3, v4;
	[tilespmem:$0x20A0] =	vst v5  }
0x65: {  	[tilespmem:$0x20B0] =	vst v3  }
0x66: {  	v3 =	vld [tilespmem:s29+$0x1080]  }
0x67: {  	v60 =	vld [tilespmem:s29+$0x1100]  }
0x68: {  	v5 =	vld [tilespmem:s29+$0x1180]  }
0x69: {  	v61 =	vld [tilespmem:s29+$0x1200]  }
0x6a: {  	v62 =	vld [tilespmem:s29+$0x1280]  }
0x6b: {  	v63 =	vld [tilespmem:s29+$0x1300]  }
0x6c: {  	v12 =	vld [tilespmem:s29+$0x1380];
	v3 =	vperm.xlane v3, v0;
	v4 =	vperm.xlane v60, v0  }
0x6d: {  	v13 =	vld [tilespmem:s29+$0x1400];
	v5 =	vperm.xlane v5, v0  }
0x6e: {  	v15 =	vld [tilespmem:s29+$0x1480];
	v14 =	vperm.xlane v61, v0;
	v3 =	vsel vm0, v3, v4  }
0x6f: {  	v17 =	vld [tilespmem:s29+$0x1500];
	v16 =	vperm.xlane v62, v0;
	v3 =	vsel vm1, v3, v5  }
0x70: {  	v19 =	vld [tilespmem:s29+$0x1580];
	v18 =	vperm.xlane v63, v0;
	v3 =	vsel vm2, v3, v14  }
0x71: {  	v21 =	vld [tilespmem:s29+$0x1600];
	v20 =	vperm.xlane v12, v0;
	v3 =	vsel vm3, v3, v16  }
0x72: {  	v23 =	vld [tilespmem:s29+$0x1680];
	v22 =	vperm.xlane v13, v0;
	v3 =	vsel vm4, v3, v18  }
0x73: {  	v25 =	vld [tilespmem:s29+$0x1700];
	v24 =	vperm.xlane v15, v0;
	v3 =	vsel vm5, v3, v20  }
0x74: {  	v27 =	vld [tilespmem:s29+$0x1780];
	v26 =	vperm.xlane v17, v0;
	v3 =	vsel vm6, v3, v22  }
0x75: {  	v29 =	vld [tilespmem:s29+$0x1800];
	v28 =	vperm.xlane v19, v0;
	v3 =	vsel vm7, v3, v24  }
0x76: {  	v30 =	vperm.xlane v21, v0;
	v3 =	vsel vm8, v3, v26  }
0x77: {  	v31 =	vperm.xlane v23, v0;
	v3 =	vsel vm9, v3, v28  }
0x78: {  	v32 =	vperm.xlane v25, v0;
	v3 =	vsel vm10, v3, v30  }
0x79: {  	v33 =	vperm.xlane v27, v0;
	v3 =	vsel vm11, v3, v31  }
0x7a: {  	v34 =	vperm.xlane v29, v0;
	v3 =	vsel vm12, v3, v32  }
0x7b: {  	v3 =	vsel vm13, v3, v33  }
0x7c: {  	v3 =	vsel vm14, v3, v34  }
0x7d: {  	v4 =	vsub.f32 $1.000000000e+00, v3;
	_ =	sdelay $0x1  }
0x7e: {  	v35 =	vperm.xlane v3, v1;
	v36 =	vperm.xlane v4, v1  }
0x7f: {  	v3 =	vperm.xlane v3, v2;
	v4 =	vperm.xlane v4, v2  }
0x80: {  	v5 =	vsel vm15, v35, v36  }
0x81: {  	v3 =	vsel vm15, v3, v4;
	[tilespmem:$0x20C0] =	vst v5  }
0x82: {  	[tilespmem:$0x20D0] =	vst v3  }
0x83: {  	v3 =	vld [tilespmem:s29+$0x1880]  }
0x84: {  	v37 =	vld [tilespmem:s29+$0x1900]  }
0x85: {  	v5 =	vld [tilespmem:s29+$0x1980]  }
0x86: {  	v38 =	vld [tilespmem:s29+$0x1A00]  }
0x87: {  	v39 =	vld [tilespmem:s29+$0x1A80]  }
0x88: {  	v40 =	vld [tilespmem:s29+$0x1B00]  }
0x89: {  	v41 =	vld [tilespmem:s29+$0x1B80];
	v3 =	vperm.xlane v3, v0;
	v4 =	vperm.xlane v37, v0  }
0x8a: {  	v42 =	vld [tilespmem:s29+$0x1C00];
	v5 =	vperm.xlane v5, v0  }
0x8b: {  	v44 =	vld [tilespmem:s29+$0x1C80];
	v43 =	vperm.xlane v38, v0;
	v3 =	vsel vm0, v3, v4  }
0x8c: {  	v46 =	vld [tilespmem:s29+$0x1D00];
	v45 =	vperm.xlane v39, v0;
	v3 =	vsel vm1, v3, v5  }
0x8d: {  	v48 =	vld [tilespmem:s29+$0x1D80];
	v47 =	vperm.xlane v40, v0;
	v3 =	vsel vm2, v3, v43  }
0x8e: {  	v50 =	vld [tilespmem:s29+$0x1E00];
	v49 =	vperm.xlane v41, v0;
	v3 =	vsel vm3, v3, v45  }
0x8f: {  	v52 =	vld [tilespmem:s29+$0x1E80];
	v51 =	vperm.xlane v42, v0;
	v3 =	vsel vm4, v3, v47  }
0x90: {  	v54 =	vld [tilespmem:s29+$0x1F00];
	v53 =	vperm.xlane v44, v0;
	v3 =	vsel vm5, v3, v49  }
0x91: {  	v56 =	vld [tilespmem:s29+$0x1F80];
	v55 =	vperm.xlane v46, v0;
	v3 =	vsel vm6, v3, v51  }
0x92: {  	v58 =	vld [tilespmem:s29+$0x2000];
	v57 =	vperm.xlane v48, v0;
	v3 =	vsel vm7, v3, v53  }
0x93: {  	v59 =	vperm.xlane v50, v0;
	v3 =	vsel vm8, v3, v55  }
0x94: {  	v60 =	vperm.xlane v52, v0;
	v3 =	vsel vm9, v3, v57  }
0x95: {  	v61 =	vperm.xlane v54, v0;
	v3 =	vsel vm10, v3, v59  }
0x96: {  	v62 =	vperm.xlane v56, v0;
	v3 =	vsel vm11, v3, v60  }
0x97: {  	v0 =	vperm.xlane v58, v0;
	v3 =	vsel vm12, v3, v61  }
0x98: {  	v3 =	vsel vm13, v3, v62  }
0x99: {  	v0 =	vsel vm14, v3, v0  }
0x9a: {  	v3 =	vsub.f32 $1.000000000e+00, v0;
	_ =	sdelay $0x1  }
0x9b: {  	v63 =	vperm.xlane v0, v1;
	v1 =	vperm.xlane v3, v1  }
0x9c: {  	v0 =	vperm.xlane v0, v2;
	v2 =	vperm.xlane v3, v2  }
0x9d: {  	v1 =	vsel vm15, v63, v1  }
0x9e: {  	s30 =	sshll.u32 s4, $0x4;
	v0 =	vsel vm15, v0, v2;
	[tilespmem:$0x20E0] =	vst v1  }
0x9f: {  	s31 =	simm.s32 $0x2080;
	s2 =	sadd.s32 s2, s30;
	[tilespmem:$0x20F0] =	vst v0  }
0xa0: {  	[hbm4b:s2+s1] =	stream.linear.scatter [tilespmem:s31], [sflag:$0x1], $0x80, $0x38;
	[tilespmem:$0x2100] =	vst v63  }
0xa1: {  	_ =	swait.ge [sflag:s25], $0x80  }
0xa2: {  	[sflag:s25] =	ssyncset.done $0x0  }
0xa3: {  	[sflag:s25] =	ssyncadd.s32 $0xFFFFFF80  }
0xa4: {  	_ =	sfence.sel $0x180000  }
0xa5: {  	[bflag:$0x0] =	sbarrier.arrive $0xFFFF  }
0xa6: {  	p0 =	sne.s32 s4, $0x0;
	_ =	strace $0x90000047  }
0xa7: {  	s0 =	sadd.s32 @!p0 $0x100000, s0;
	[bflag:$0x2] =	sbarrier.arrive $0xFFFF  }
0xa8: {  	[sflag:s0] =	ssyncadd.tile.s32 @!p0 $0x1;
	_ =	shalt  }
.Lfunc_end2:
_tile_overlayer_lowered:
.L_overlay_start_2:
0xa9: {  	(tag) =	ssettag $0x2  }
0xaa: {  	s0 =	rddreg [dreg:$0x0];
	s2 =	stileid.u32  }
0xab: {  	s1 =	rddreg [dreg:$0x1];
	p0 =	sne.s32 s2, $0x0  }
0xac: {  	s3 =	rddreg [dreg:$0x2];
	[bflag:$0x3] =	sbarrier.arrive $0xFFFF;
	s2 =	simm.s32 @!p0 $0x1C01  }
0xad: {  	[timem:s3], [sflag:s2] =	dma.local @!p0 [hbm:s0], s1  }
0xae: {  	s0 =	simm.s32 @!p0 $0x1  }
0xaf: {  	_ =	swait.ge @!p0 [sflag:s0], s1  }
0xb0: {  	s1 =	ssub.s32 @!p0 $0x0, s1;
	[sflag:s0] =	ssyncset.done @!p0 $0x0  }
0xb1: {  	[sflag:s0] =	ssyncadd.s32 @!p0 s1  }
0xb2: {  	[bflag:$0x3] =	sbarrier.arrive $0xFFFF  }
0xb3: {  	_ =	shalt  }

</sc_bundles>
